<compile_context>
chip_gen: v7x
topology: tpu7x:2x2x1
jax: 0.10.2.dev20260603
libtpu: 0.0.44.dev20260713+nightly
codegen_flags: <defaults>
</compile_context>

<pallas_src>
import functools

import jax
import jax.numpy as jnp
from jax import lax
from jax.experimental import pallas as pl
from jax.experimental.pallas import tpu as pltpu
from jax.experimental.pallas import tpu_sc as plsc

HIDDEN = 32
NC, NS = 2, 16
NW = NC * NS
NBUF = 4
GROUP = 2


def _emb_kernel(n_rows, n_cols):
    rows_w = n_rows // NW
    units_w = rows_w // GROUP
    gcols = GROUP * n_cols
    mesh = plsc.VectorSubcoreMesh(
        core_axis_name="c", subcore_axis_name="s",
        num_cores=NC, num_subcores=NS)

    @functools.partial(
        pl.kernel,
        out_type=jax.ShapeDtypeStruct((n_rows, n_cols, HIDDEN), jnp.float32),
        mesh=mesh,
        scratch_types=[
            pltpu.VMEM((units_w, gcols), jnp.int32),
            pltpu.VMEM((NBUF, gcols, HIDDEN), jnp.float32),
        ] + [pltpu.SemaphoreType.DMA] * (2 * NBUF),
        compiler_params=pltpu.CompilerParams(use_tc_tiling_on_sc=False),
    )
    def body(w_hbm, xg_hbm, out_hbm, idx_v, rows_v, *sems):
        gsem = sems[:NBUF]
        wsem = sems[NBUF:]
        wid = lax.axis_index("s") * NC + lax.axis_index("c")
        ubase = wid * units_w

        pltpu.sync_copy(xg_hbm.at[pl.ds(ubase, units_w)], idx_v)

        def g_start(b, u):
            pltpu.async_copy(w_hbm.at[idx_v.at[u]], rows_v.at[b], gsem[b])

        def g_wait(b, u):
            pltpu.make_async_copy(
                w_hbm.at[idx_v.at[u]], rows_v.at[b], gsem[b]).wait()

        def w_start(b, u):
            for g in range(GROUP):
                pltpu.async_copy(
                    rows_v.at[b, pl.ds(g * n_cols, n_cols)],
                    out_hbm.at[(ubase + u) * GROUP + g], wsem[b])

        def w_wait(b, u):
            for g in range(GROUP):
                pltpu.make_async_copy(
                    rows_v.at[b, pl.ds(g * n_cols, n_cols)],
                    out_hbm.at[(ubase + u) * GROUP + g], wsem[b]).wait()

        for b in range(NBUF):
            g_start(b, b)

        @pl.loop(0, units_w, step=NBUF)
        def _(u):
            for b in range(NBUF):
                g_wait(b, u + b)
                w_start(b, u + b)
            for b in range(NBUF):
                nxt = u + b + NBUF

                @pl.when(nxt < units_w)
                def _():
                    w_wait(b, u + b)
                    g_start(b, nxt)

        for b in range(NBUF):
            w_wait(b, units_w - NBUF + b)

    return body


def kernel(x, weight):
    s0, s1 = x.shape
    xg = x.astype(jnp.int32).reshape(s0 // GROUP, GROUP * s1)
    out = _emb_kernel(s0, s1)(weight, xg)
    return out.reshape(s0, s1, HIDDEN)

# --- scband reference (transcript-rebuilt; emitter-appended) ---
"""Pipeline reference for scband-embedding-layer-77326591197577 (READ-ONLY COPY).

The authoritative reference and input builder live on the scoring server;
editing this copy changes nothing except your own understanding.
"""

import jax, jax.numpy as jnp
import numpy as np
import math

INPUT_SIZE = 1000000
HIDDEN_SIZE = 32

def setup_inputs(seed: int = 0) -> dict:
    key = jax.random.key(seed)
    k_idx, k_w = jax.random.split(key)
    x = jax.random.randint(k_idx, (16384, 50), 0, INPUT_SIZE, dtype=jnp.int64 if jax.config.read('jax_enable_x64') else jnp.int32)
    # xavier_uniform with gain=sqrt(2): bound = gain * sqrt(6 / (fan_in + fan_out))
    bound = math.sqrt(2.0) * math.sqrt(6.0 / (INPUT_SIZE + HIDDEN_SIZE))
    weight = jax.random.uniform(k_w, (INPUT_SIZE, HIDDEN_SIZE), minval=-bound, maxval=bound, dtype=jnp.float32)
    return {"x": x, "weight": weight}

def reference(x, weight):
    # embedding lookup: gather rows of the table
    return jnp.take(weight, x, axis=0)

if __name__ == "__main__":
    import jax
    _d = setup_inputs()
    print(jax.jit(kernel)(*tuple(_d.values())))

</pallas_src>

<mosaic_0001>
#map = affine_map<(d0, d1) -> (0, 0)>
#map1 = affine_map<(d0, d1) -> (0, 0, 0)>
module attributes {stable_mosaic.version = 14 : i64} {
  func.func @body(%arg0: i32, %arg1: i32, %arg2: memref<1000000x32xf32, #tpu.memory_space<hbm>>, %arg3: memref<8192x100xi32, #tpu.memory_space<hbm>>, %arg4: memref<16384x50x32xf32, #tpu.memory_space<hbm>>, %arg5: memref<256x100xi32, #tpu.memory_space<vmem>>, %arg6: memref<4x100x32xf32, #tpu.memory_space<vmem>>, %arg7: memref<!tpu.dma_semaphore, #tpu.memory_space<semaphore_mem>>, %arg8: memref<!tpu.dma_semaphore, #tpu.memory_space<semaphore_mem>>, %arg9: memref<!tpu.dma_semaphore, #tpu.memory_space<semaphore_mem>>, %arg10: memref<!tpu.dma_semaphore, #tpu.memory_space<semaphore_mem>>, %arg11: memref<!tpu.dma_semaphore, #tpu.memory_space<semaphore_mem>>, %arg12: memref<!tpu.dma_semaphore, #tpu.memory_space<semaphore_mem>>, %arg13: memref<!tpu.dma_semaphore, #tpu.memory_space<semaphore_mem>>, %arg14: memref<!tpu.dma_semaphore, #tpu.memory_space<semaphore_mem>>) attributes {dimension_semantics = [#tpu.dimension_semantics<core_parallel>, #tpu.dimension_semantics<subcore_parallel>], iteration_bounds = array<i64: 2, 16>, scalar_prefetch = 0 : i64, scratch_operands = 10 : i64, tpu.core_type = #tpu.core_type<sc_vector_subcore>, window_params = [{transform_indices = #map}, {transform_indices = #map}, {transform_indices = #map1}]} {
    %mul3A = arith.constant 2 : i32
    %mul3A_0 = arith.muli %arg1, %mul3A : i32
    %add3A = arith.addi %mul3A_0, %arg0 : i32
    %mul3A_1 = arith.constant 256 : i32
    %mul3A_2 = arith.muli %add3A, %mul3A_1 : i32
    "tpu.region"() ({
      %run_scoped3A = tpu.sem_alloc : memref<!tpu.dma_semaphore, #tpu.memory_space<semaphore_mem>>
      %dma_start3A_237 = arith.constant 0 : i32
      %dma_start3A_238 = tpu.memref_slice %arg3[%mul3A_2, %dma_start3A_237] : memref<8192x100xi32, #tpu.memory_space<hbm>> -> memref<256x100xi32, #tpu.memory_space<hbm>>
      %dma_start3A_239 = arith.constant 0 : i32
      %dma_start3A_240 = tpu.memref_slice %arg3[%mul3A_2, %dma_start3A_239] : memref<8192x100xi32, #tpu.memory_space<hbm>> -> memref<256x100xi32, #tpu.memory_space<hbm>>
      tpu.enqueue_dma source(%dma_start3A_240 : memref<256x100xi32, #tpu.memory_space<hbm>>) target(%arg5 : memref<256x100xi32, #tpu.memory_space<vmem>>) target_semaphore(%run_scoped3A : memref<!tpu.dma_semaphore, #tpu.memory_space<semaphore_mem>>)
      %dma_wait3A_241 = arith.constant 0 : i32
      %dma_wait3A_242 = tpu.memref_slice %arg3[%mul3A_2, %dma_wait3A_241] : memref<8192x100xi32, #tpu.memory_space<hbm>> -> memref<256x100xi32, #tpu.memory_space<hbm>>
      %dma_wait3A_243 = arith.constant 0 : i32
      %dma_wait3A_244 = tpu.memref_slice %arg3[%mul3A_2, %dma_wait3A_243] : memref<8192x100xi32, #tpu.memory_space<hbm>> -> memref<256x100xi32, #tpu.memory_space<hbm>>
      tpu.wait_dma2 semaphore(%run_scoped3A : memref<!tpu.dma_semaphore, #tpu.memory_space<semaphore_mem>>) src(%dma_wait3A_244 : memref<256x100xi32, #tpu.memory_space<hbm>>) dst(%arg5 : memref<256x100xi32, #tpu.memory_space<vmem>>)
      tpu.yield
    }) : () -> ()
    %dma_start3A = arith.constant 0 : i32
    %dma_start3A_3 = arith.constant 0 : i32
    %dma_start3A_4 = arith.constant 0 : i32
    %dma_start3A_5 = arith.constant 0 : i32
    %dma_start3A_6 = tpu.memref_slice %arg6[%dma_start3A_3, %dma_start3A_4, %dma_start3A_5] : memref<4x100x32xf32, #tpu.memory_space<vmem>> -> memref<1x100x32xf32, #tpu.memory_space<vmem>>
    %dma_start3A_7 = tpu.memref_squeeze %dma_start3A_6 : memref<1x100x32xf32, #tpu.memory_space<vmem>> -> memref<100x32xf32, #tpu.memory_space<vmem>>
    %dma_start3A_8 = arith.constant 0 : i32
    %dma_start3A_9 = tpu.memref_slice %arg5[%dma_start3A, %dma_start3A_8] : memref<256x100xi32, #tpu.memory_space<vmem>> -> memref<1x100xi32, #tpu.memory_space<vmem>>
    %dma_start3A_10 = tpu.memref_squeeze %dma_start3A_9 : memref<1x100xi32, #tpu.memory_space<vmem>> -> memref<100xi32, #tpu.memory_space<vmem>>
    %dma_start3A_11 = arith.constant 0 : i32
    %dma_start3A_12 = arith.constant 0 : i32
    %dma_start3A_13 = tpu.memref_slice %arg2[%dma_start3A_11, %dma_start3A_12] : memref<1000000x32xf32, #tpu.memory_space<hbm>> -> memref<1000000x32xf32, #tpu.memory_space<hbm>>
    tpu.enqueue_indirect_dma source(%dma_start3A_13 : memref<1000000x32xf32, #tpu.memory_space<hbm>>) target(%dma_start3A_7 : memref<100x32xf32, #tpu.memory_space<vmem>>) offsets(%dma_start3A_10 : memref<100xi32, #tpu.memory_space<vmem>>) semaphore(%arg7 : memref<!tpu.dma_semaphore, #tpu.memory_space<semaphore_mem>>)
    %dma_start3A_14 = arith.constant 1 : i32
    %dma_start3A_15 = arith.constant 1 : i32
    %dma_start3A_16 = arith.constant 0 : i32
    %dma_start3A_17 = arith.constant 0 : i32
    %dma_start3A_18 = tpu.memref_slice %arg6[%dma_start3A_15, %dma_start3A_16, %dma_start3A_17] : memref<4x100x32xf32, #tpu.memory_space<vmem>> -> memref<1x100x32xf32, #tpu.memory_space<vmem>>
    %dma_start3A_19 = tpu.memref_squeeze %dma_start3A_18 : memref<1x100x32xf32, #tpu.memory_space<vmem>> -> memref<100x32xf32, #tpu.memory_space<vmem>>
    %dma_start3A_20 = arith.constant 0 : i32
    %dma_start3A_21 = tpu.memref_slice %arg5[%dma_start3A_14, %dma_start3A_20] : memref<256x100xi32, #tpu.memory_space<vmem>> -> memref<1x100xi32, #tpu.memory_space<vmem>>
    %dma_start3A_22 = tpu.memref_squeeze %dma_start3A_21 : memref<1x100xi32, #tpu.memory_space<vmem>> -> memref<100xi32, #tpu.memory_space<vmem>>
    %dma_start3A_23 = arith.constant 0 : i32
    %dma_start3A_24 = arith.constant 0 : i32
    %dma_start3A_25 = tpu.memref_slice %arg2[%dma_start3A_23, %dma_start3A_24] : memref<1000000x32xf32, #tpu.memory_space<hbm>> -> memref<1000000x32xf32, #tpu.memory_space<hbm>>
    tpu.enqueue_indirect_dma source(%dma_start3A_25 : memref<1000000x32xf32, #tpu.memory_space<hbm>>) target(%dma_start3A_19 : memref<100x32xf32, #tpu.memory_space<vmem>>) offsets(%dma_start3A_22 : memref<100xi32, #tpu.memory_space<vmem>>) semaphore(%arg8 : memref<!tpu.dma_semaphore, #tpu.memory_space<semaphore_mem>>)
    %dma_start3A_26 = arith.constant 2 : i32
    %dma_start3A_27 = arith.constant 2 : i32
    %dma_start3A_28 = arith.constant 0 : i32
    %dma_start3A_29 = arith.constant 0 : i32
    %dma_start3A_30 = tpu.memref_slice %arg6[%dma_start3A_27, %dma_start3A_28, %dma_start3A_29] : memref<4x100x32xf32, #tpu.memory_space<vmem>> -> memref<1x100x32xf32, #tpu.memory_space<vmem>>
    %dma_start3A_31 = tpu.memref_squeeze %dma_start3A_30 : memref<1x100x32xf32, #tpu.memory_space<vmem>> -> memref<100x32xf32, #tpu.memory_space<vmem>>
    %dma_start3A_32 = arith.constant 0 : i32
    %dma_start3A_33 = tpu.memref_slice %arg5[%dma_start3A_26, %dma_start3A_32] : memref<256x100xi32, #tpu.memory_space<vmem>> -> memref<1x100xi32, #tpu.memory_space<vmem>>
    %dma_start3A_34 = tpu.memref_squeeze %dma_start3A_33 : memref<1x100xi32, #tpu.memory_space<vmem>> -> memref<100xi32, #tpu.memory_space<vmem>>
    %dma_start3A_35 = arith.constant 0 : i32
    %dma_start3A_36 = arith.constant 0 : i32
    %dma_start3A_37 = tpu.memref_slice %arg2[%dma_start3A_35, %dma_start3A_36] : memref<1000000x32xf32, #tpu.memory_space<hbm>> -> memref<1000000x32xf32, #tpu.memory_space<hbm>>
    tpu.enqueue_indirect_dma source(%dma_start3A_37 : memref<1000000x32xf32, #tpu.memory_space<hbm>>) target(%dma_start3A_31 : memref<100x32xf32, #tpu.memory_space<vmem>>) offsets(%dma_start3A_34 : memref<100xi32, #tpu.memory_space<vmem>>) semaphore(%arg9 : memref<!tpu.dma_semaphore, #tpu.memory_space<semaphore_mem>>)
    %dma_start3A_38 = arith.constant 3 : i32
    %dma_start3A_39 = arith.constant 3 : i32
    %dma_start3A_40 = arith.constant 0 : i32
    %dma_start3A_41 = arith.constant 0 : i32
    %dma_start3A_42 = tpu.memref_slice %arg6[%dma_start3A_39, %dma_start3A_40, %dma_start3A_41] : memref<4x100x32xf32, #tpu.memory_space<vmem>> -> memref<1x100x32xf32, #tpu.memory_space<vmem>>
    %dma_start3A_43 = tpu.memref_squeeze %dma_start3A_42 : memref<1x100x32xf32, #tpu.memory_space<vmem>> -> memref<100x32xf32, #tpu.memory_space<vmem>>
    %dma_start3A_44 = arith.constant 0 : i32
    %dma_start3A_45 = tpu.memref_slice %arg5[%dma_start3A_38, %dma_start3A_44] : memref<256x100xi32, #tpu.memory_space<vmem>> -> memref<1x100xi32, #tpu.memory_space<vmem>>
    %dma_start3A_46 = tpu.memref_squeeze %dma_start3A_45 : memref<1x100xi32, #tpu.memory_space<vmem>> -> memref<100xi32, #tpu.memory_space<vmem>>
    %dma_start3A_47 = arith.constant 0 : i32
    %dma_start3A_48 = arith.constant 0 : i32
    %dma_start3A_49 = tpu.memref_slice %arg2[%dma_start3A_47, %dma_start3A_48] : memref<1000000x32xf32, #tpu.memory_space<hbm>> -> memref<1000000x32xf32, #tpu.memory_space<hbm>>
    tpu.enqueue_indirect_dma source(%dma_start3A_49 : memref<1000000x32xf32, #tpu.memory_space<hbm>>) target(%dma_start3A_43 : memref<100x32xf32, #tpu.memory_space<vmem>>) offsets(%dma_start3A_46 : memref<100xi32, #tpu.memory_space<vmem>>) semaphore(%arg10 : memref<!tpu.dma_semaphore, #tpu.memory_space<semaphore_mem>>)
    %scan3A = arith.constant 0 : i32
    %scan3A_50 = arith.constant 64 : i32
    %scan3A_51 = arith.addi %scan3A, %scan3A_50 : i32
    %scan3A_52 = arith.constant 1 : i32
    scf.for %scan3A_237 = %scan3A to %scan3A_51 step %scan3A_52  : i32 {
      %mul3A_238 = arith.constant 4 : i32
      %mul3A_239 = arith.muli %scan3A_237, %mul3A_238 : i32
      %add3A_240 = arith.constant 0 : i32
      %add3A_241 = arith.addi %add3A_240, %mul3A_239 : i32
      %add3A_242 = arith.constant 0 : i32
      %add3A_243 = arith.addi %add3A_241, %add3A_242 : i32
      %dma_wait3A_244 = arith.constant 0 : i32
      %dma_wait3A_245 = arith.constant 0 : i32
      %dma_wait3A_246 = arith.constant 0 : i32
      %dma_wait3A_247 = tpu.memref_slice %arg6[%dma_wait3A_244, %dma_wait3A_245, %dma_wait3A_246] : memref<4x100x32xf32, #tpu.memory_space<vmem>> -> memref<1x100x32xf32, #tpu.memory_space<vmem>>
      %dma_wait3A_248 = tpu.memref_squeeze %dma_wait3A_247 : memref<1x100x32xf32, #tpu.memory_space<vmem>> -> memref<100x32xf32, #tpu.memory_space<vmem>>
      %dma_wait3A_249 = arith.constant 0 : i32
      %dma_wait3A_250 = tpu.memref_slice %arg5[%add3A_243, %dma_wait3A_249] : memref<256x100xi32, #tpu.memory_space<vmem>> -> memref<1x100xi32, #tpu.memory_space<vmem>>
      %dma_wait3A_251 = tpu.memref_squeeze %dma_wait3A_250 : memref<1x100xi32, #tpu.memory_space<vmem>> -> memref<100xi32, #tpu.memory_space<vmem>>
      %dma_wait3A_252 = arith.constant 0 : i32
      %dma_wait3A_253 = arith.constant 0 : i32
      %dma_wait3A_254 = tpu.memref_slice %arg2[%dma_wait3A_252, %dma_wait3A_253] : memref<1000000x32xf32, #tpu.memory_space<hbm>> -> memref<1000000x32xf32, #tpu.memory_space<hbm>>
      tpu.wait_indirect_dma semaphore(%arg7 : memref<!tpu.dma_semaphore, #tpu.memory_space<semaphore_mem>>) src(%dma_wait3A_254 : memref<1000000x32xf32, #tpu.memory_space<hbm>>) dst(%dma_wait3A_248 : memref<100x32xf32, #tpu.memory_space<vmem>>)
      %add3A_255 = arith.constant 0 : i32
      %add3A_256 = arith.addi %add3A_241, %add3A_255 : i32
      %add3A_257 = arith.addi %mul3A_2, %add3A_256 : i32
      %mul3A_258 = arith.constant 2 : i32
      %mul3A_259 = arith.muli %add3A_257, %mul3A_258 : i32
      %add3A_260 = arith.constant 0 : i32
      %add3A_261 = arith.addi %mul3A_259, %add3A_260 : i32
      %dma_start3A_262 = arith.constant 0 : i32
      %dma_start3A_263 = arith.constant 0 : i32
      %dma_start3A_264 = arith.constant 0 : i32
      %dma_start3A_265 = tpu.memref_slice %arg6[%dma_start3A_262, %dma_start3A_263, %dma_start3A_264] : memref<4x100x32xf32, #tpu.memory_space<vmem>> -> memref<1x50x32xf32, #tpu.memory_space<vmem>>
      %dma_start3A_266 = tpu.memref_squeeze %dma_start3A_265 : memref<1x50x32xf32, #tpu.memory_space<vmem>> -> memref<50x32xf32, #tpu.memory_space<vmem>>
      %dma_start3A_267 = arith.constant 0 : i32
      %dma_start3A_268 = arith.constant 0 : i32
      %dma_start3A_269 = tpu.memref_slice %arg4[%add3A_261, %dma_start3A_267, %dma_start3A_268] : memref<16384x50x32xf32, #tpu.memory_space<hbm>> -> memref<1x50x32xf32, #tpu.memory_space<hbm>>
      %dma_start3A_270 = tpu.memref_squeeze %dma_start3A_269 : memref<1x50x32xf32, #tpu.memory_space<hbm>> -> memref<50x32xf32, #tpu.memory_space<hbm>>
      %dma_start3A_271 = arith.constant 0 : i32
      %dma_start3A_272 = arith.constant 0 : i32
      %dma_start3A_273 = tpu.memref_slice %arg4[%add3A_261, %dma_start3A_271, %dma_start3A_272] : memref<16384x50x32xf32, #tpu.memory_space<hbm>> -> memref<1x50x32xf32, #tpu.memory_space<hbm>>
      %dma_start3A_274 = tpu.memref_squeeze %dma_start3A_273 : memref<1x50x32xf32, #tpu.memory_space<hbm>> -> memref<50x32xf32, #tpu.memory_space<hbm>>
      %dma_start3A_275 = arith.constant 0 : i32
      %dma_start3A_276 = arith.constant 0 : i32
      %dma_start3A_277 = tpu.memref_slice %arg6[%dma_start3A_262, %dma_start3A_275, %dma_start3A_276] : memref<4x100x32xf32, #tpu.memory_space<vmem>> -> memref<1x50x32xf32, #tpu.memory_space<vmem>>
      %dma_start3A_278 = tpu.memref_squeeze %dma_start3A_277 : memref<1x50x32xf32, #tpu.memory_space<vmem>> -> memref<50x32xf32, #tpu.memory_space<vmem>>
      tpu.enqueue_dma source(%dma_start3A_278 : memref<50x32xf32, #tpu.memory_space<vmem>>) target(%dma_start3A_274 : memref<50x32xf32, #tpu.memory_space<hbm>>) target_semaphore(%arg11 : memref<!tpu.dma_semaphore, #tpu.memory_space<semaphore_mem>>)
      %add3A_279 = arith.addi %mul3A_2, %add3A_256 : i32
      %mul3A_280 = arith.constant 2 : i32
      %mul3A_281 = arith.muli %add3A_279, %mul3A_280 : i32
      %add3A_282 = arith.constant 1 : i32
      %add3A_283 = arith.addi %mul3A_281, %add3A_282 : i32
      %dma_start3A_284 = arith.constant 0 : i32
      %dma_start3A_285 = arith.constant 50 : i32
      %dma_start3A_286 = arith.constant 0 : i32
      %dma_start3A_287 = tpu.memref_slice %arg6[%dma_start3A_284, %dma_start3A_285, %dma_start3A_286] : memref<4x100x32xf32, #tpu.memory_space<vmem>> -> memref<1x50x32xf32, #tpu.memory_space<vmem>>
      %dma_start3A_288 = tpu.memref_squeeze %dma_start3A_287 : memref<1x50x32xf32, #tpu.memory_space<vmem>> -> memref<50x32xf32, #tpu.memory_space<vmem>>
      %dma_start3A_289 = arith.constant 0 : i32
      %dma_start3A_290 = arith.constant 0 : i32
      %dma_start3A_291 = tpu.memref_slice %arg4[%add3A_283, %dma_start3A_289, %dma_start3A_290] : memref<16384x50x32xf32, #tpu.memory_space<hbm>> -> memref<1x50x32xf32, #tpu.memory_space<hbm>>
      %dma_start3A_292 = tpu.memref_squeeze %dma_start3A_291 : memref<1x50x32xf32, #tpu.memory_space<hbm>> -> memref<50x32xf32, #tpu.memory_space<hbm>>
      %dma_start3A_293 = arith.constant 0 : i32
      %dma_start3A_294 = arith.constant 0 : i32
      %dma_start3A_295 = tpu.memref_slice %arg4[%add3A_283, %dma_start3A_293, %dma_start3A_294] : memref<16384x50x32xf32, #tpu.memory_space<hbm>> -> memref<1x50x32xf32, #tpu.memory_space<hbm>>
      %dma_start3A_296 = tpu.memref_squeeze %dma_start3A_295 : memref<1x50x32xf32, #tpu.memory_space<hbm>> -> memref<50x32xf32, #tpu.memory_space<hbm>>
      %dma_start3A_297 = arith.constant 50 : i32
      %dma_start3A_298 = arith.constant 0 : i32
      %dma_start3A_299 = tpu.memref_slice %arg6[%dma_start3A_284, %dma_start3A_297, %dma_start3A_298] : memref<4x100x32xf32, #tpu.memory_space<vmem>> -> memref<1x50x32xf32, #tpu.memory_space<vmem>>
      %dma_start3A_300 = tpu.memref_squeeze %dma_start3A_299 : memref<1x50x32xf32, #tpu.memory_space<vmem>> -> memref<50x32xf32, #tpu.memory_space<vmem>>
      tpu.enqueue_dma source(%dma_start3A_300 : memref<50x32xf32, #tpu.memory_space<vmem>>) target(%dma_start3A_296 : memref<50x32xf32, #tpu.memory_space<hbm>>) target_semaphore(%arg11 : memref<!tpu.dma_semaphore, #tpu.memory_space<semaphore_mem>>)
      %add3A_301 = arith.constant 1 : i32
      %add3A_302 = arith.addi %add3A_241, %add3A_301 : i32
      %dma_wait3A_303 = arith.constant 1 : i32
      %dma_wait3A_304 = arith.constant 0 : i32
      %dma_wait3A_305 = arith.constant 0 : i32
      %dma_wait3A_306 = tpu.memref_slice %arg6[%dma_wait3A_303, %dma_wait3A_304, %dma_wait3A_305] : memref<4x100x32xf32, #tpu.memory_space<vmem>> -> memref<1x100x32xf32, #tpu.memory_space<vmem>>
      %dma_wait3A_307 = tpu.memref_squeeze %dma_wait3A_306 : memref<1x100x32xf32, #tpu.memory_space<vmem>> -> memref<100x32xf32, #tpu.memory_space<vmem>>
      %dma_wait3A_308 = arith.constant 0 : i32
      %dma_wait3A_309 = tpu.memref_slice %arg5[%add3A_302, %dma_wait3A_308] : memref<256x100xi32, #tpu.memory_space<vmem>> -> memref<1x100xi32, #tpu.memory_space<vmem>>
      %dma_wait3A_310 = tpu.memref_squeeze %dma_wait3A_309 : memref<1x100xi32, #tpu.memory_space<vmem>> -> memref<100xi32, #tpu.memory_space<vmem>>
      %dma_wait3A_311 = arith.constant 0 : i32
      %dma_wait3A_312 = arith.constant 0 : i32
      %dma_wait3A_313 = tpu.memref_slice %arg2[%dma_wait3A_311, %dma_wait3A_312] : memref<1000000x32xf32, #tpu.memory_space<hbm>> -> memref<1000000x32xf32, #tpu.memory_space<hbm>>
      tpu.wait_indirect_dma semaphore(%arg8 : memref<!tpu.dma_semaphore, #tpu.memory_space<semaphore_mem>>) src(%dma_wait3A_313 : memref<1000000x32xf32, #tpu.memory_space<hbm>>) dst(%dma_wait3A_307 : memref<100x32xf32, #tpu.memory_space<vmem>>)
      %add3A_314 = arith.constant 1 : i32
      %add3A_315 = arith.addi %add3A_241, %add3A_314 : i32
      %add3A_316 = arith.addi %mul3A_2, %add3A_315 : i32
      %mul3A_317 = arith.constant 2 : i32
      %mul3A_318 = arith.muli %add3A_316, %mul3A_317 : i32
      %add3A_319 = arith.constant 0 : i32
      %add3A_320 = arith.addi %mul3A_318, %add3A_319 : i32
      %dma_start3A_321 = arith.constant 1 : i32
      %dma_start3A_322 = arith.constant 0 : i32
      %dma_start3A_323 = arith.constant 0 : i32
      %dma_start3A_324 = tpu.memref_slice %arg6[%dma_start3A_321, %dma_start3A_322, %dma_start3A_323] : memref<4x100x32xf32, #tpu.memory_space<vmem>> -> memref<1x50x32xf32, #tpu.memory_space<vmem>>
      %dma_start3A_325 = tpu.memref_squeeze %dma_start3A_324 : memref<1x50x32xf32, #tpu.memory_space<vmem>> -> memref<50x32xf32, #tpu.memory_space<vmem>>
      %dma_start3A_326 = arith.constant 0 : i32
      %dma_start3A_327 = arith.constant 0 : i32
      %dma_start3A_328 = tpu.memref_slice %arg4[%add3A_320, %dma_start3A_326, %dma_start3A_327] : memref<16384x50x32xf32, #tpu.memory_space<hbm>> -> memref<1x50x32xf32, #tpu.memory_space<hbm>>
      %dma_start3A_329 = tpu.memref_squeeze %dma_start3A_328 : memref<1x50x32xf32, #tpu.memory_space<hbm>> -> memref<50x32xf32, #tpu.memory_space<hbm>>
      %dma_start3A_330 = arith.constant 0 : i32
      %dma_start3A_331 = arith.constant 0 : i32
      %dma_start3A_332 = tpu.memref_slice %arg4[%add3A_320, %dma_start3A_330, %dma_start3A_331] : memref<16384x50x32xf32, #tpu.memory_space<hbm>> -> memref<1x50x32xf32, #tpu.memory_space<hbm>>
      %dma_start3A_333 = tpu.memref_squeeze %dma_start3A_332 : memref<1x50x32xf32, #tpu.memory_space<hbm>> -> memref<50x32xf32, #tpu.memory_space<hbm>>
      %dma_start3A_334 = arith.constant 0 : i32
      %dma_start3A_335 = arith.constant 0 : i32
      %dma_start3A_336 = tpu.memref_slice %arg6[%dma_start3A_321, %dma_start3A_334, %dma_start3A_335] : memref<4x100x32xf32, #tpu.memory_space<vmem>> -> memref<1x50x32xf32, #tpu.memory_space<vmem>>
      %dma_start3A_337 = tpu.memref_squeeze %dma_start3A_336 : memref<1x50x32xf32, #tpu.memory_space<vmem>> -> memref<50x32xf32, #tpu.memory_space<vmem>>
      tpu.enqueue_dma source(%dma_start3A_337 : memref<50x32xf32, #tpu.memory_space<vmem>>) target(%dma_start3A_333 : memref<50x32xf32, #tpu.memory_space<hbm>>) target_semaphore(%arg12 : memref<!tpu.dma_semaphore, #tpu.memory_space<semaphore_mem>>)
      %add3A_338 = arith.addi %mul3A_2, %add3A_315 : i32
      %mul3A_339 = arith.constant 2 : i32
      %mul3A_340 = arith.muli %add3A_338, %mul3A_339 : i32
      %add3A_341 = arith.constant 1 : i32
      %add3A_342 = arith.addi %mul3A_340, %add3A_341 : i32
      %dma_start3A_343 = arith.constant 1 : i32
      %dma_start3A_344 = arith.constant 50 : i32
      %dma_start3A_345 = arith.constant 0 : i32
      %dma_start3A_346 = tpu.memref_slice %arg6[%dma_start3A_343, %dma_start3A_344, %dma_start3A_345] : memref<4x100x32xf32, #tpu.memory_space<vmem>> -> memref<1x50x32xf32, #tpu.memory_space<vmem>>
      %dma_start3A_347 = tpu.memref_squeeze %dma_start3A_346 : memref<1x50x32xf32, #tpu.memory_space<vmem>> -> memref<50x32xf32, #tpu.memory_space<vmem>>
      %dma_start3A_348 = arith.constant 0 : i32
      %dma_start3A_349 = arith.constant 0 : i32
      %dma_start3A_350 = tpu.memref_slice %arg4[%add3A_342, %dma_start3A_348, %dma_start3A_349] : memref<16384x50x32xf32, #tpu.memory_space<hbm>> -> memref<1x50x32xf32, #tpu.memory_space<hbm>>
      %dma_start3A_351 = tpu.memref_squeeze %dma_start3A_350 : memref<1x50x32xf32, #tpu.memory_space<hbm>> -> memref<50x32xf32, #tpu.memory_space<hbm>>
      %dma_start3A_352 = arith.constant 0 : i32
      %dma_start3A_353 = arith.constant 0 : i32
      %dma_start3A_354 = tpu.memref_slice %arg4[%add3A_342, %dma_start3A_352, %dma_start3A_353] : memref<16384x50x32xf32, #tpu.memory_space<hbm>> -> memref<1x50x32xf32, #tpu.memory_space<hbm>>
      %dma_start3A_355 = tpu.memref_squeeze %dma_start3A_354 : memref<1x50x32xf32, #tpu.memory_space<hbm>> -> memref<50x32xf32, #tpu.memory_space<hbm>>
      %dma_start3A_356 = arith.constant 50 : i32
      %dma_start3A_357 = arith.constant 0 : i32
      %dma_start3A_358 = tpu.memref_slice %arg6[%dma_start3A_343, %dma_start3A_356, %dma_start3A_357] : memref<4x100x32xf32, #tpu.memory_space<vmem>> -> memref<1x50x32xf32, #tpu.memory_space<vmem>>
      %dma_start3A_359 = tpu.memref_squeeze %dma_start3A_358 : memref<1x50x32xf32, #tpu.memory_space<vmem>> -> memref<50x32xf32, #tpu.memory_space<vmem>>
      tpu.enqueue_dma source(%dma_start3A_359 : memref<50x32xf32, #tpu.memory_space<vmem>>) target(%dma_start3A_355 : memref<50x32xf32, #tpu.memory_space<hbm>>) target_semaphore(%arg12 : memref<!tpu.dma_semaphore, #tpu.memory_space<semaphore_mem>>)
      %add3A_360 = arith.constant 2 : i32
      %add3A_361 = arith.addi %add3A_241, %add3A_360 : i32
      %dma_wait3A_362 = arith.constant 2 : i32
      %dma_wait3A_363 = arith.constant 0 : i32
      %dma_wait3A_364 = arith.constant 0 : i32
      %dma_wait3A_365 = tpu.memref_slice %arg6[%dma_wait3A_362, %dma_wait3A_363, %dma_wait3A_364] : memref<4x100x32xf32, #tpu.memory_space<vmem>> -> memref<1x100x32xf32, #tpu.memory_space<vmem>>
      %dma_wait3A_366 = tpu.memref_squeeze %dma_wait3A_365 : memref<1x100x32xf32, #tpu.memory_space<vmem>> -> memref<100x32xf32, #tpu.memory_space<vmem>>
      %dma_wait3A_367 = arith.constant 0 : i32
      %dma_wait3A_368 = tpu.memref_slice %arg5[%add3A_361, %dma_wait3A_367] : memref<256x100xi32, #tpu.memory_space<vmem>> -> memref<1x100xi32, #tpu.memory_space<vmem>>
      %dma_wait3A_369 = tpu.memref_squeeze %dma_wait3A_368 : memref<1x100xi32, #tpu.memory_space<vmem>> -> memref<100xi32, #tpu.memory_space<vmem>>
      %dma_wait3A_370 = arith.constant 0 : i32
      %dma_wait3A_371 = arith.constant 0 : i32
      %dma_wait3A_372 = tpu.memref_slice %arg2[%dma_wait3A_370, %dma_wait3A_371] : memref<1000000x32xf32, #tpu.memory_space<hbm>> -> memref<1000000x32xf32, #tpu.memory_space<hbm>>
      tpu.wait_indirect_dma semaphore(%arg9 : memref<!tpu.dma_semaphore, #tpu.memory_space<semaphore_mem>>) src(%dma_wait3A_372 : memref<1000000x32xf32, #tpu.memory_space<hbm>>) dst(%dma_wait3A_366 : memref<100x32xf32, #tpu.memory_space<vmem>>)
      %add3A_373 = arith.constant 2 : i32
      %add3A_374 = arith.addi %add3A_241, %add3A_373 : i32
      %add3A_375 = arith.addi %mul3A_2, %add3A_374 : i32
      %mul3A_376 = arith.constant 2 : i32
      %mul3A_377 = arith.muli %add3A_375, %mul3A_376 : i32
      %add3A_378 = arith.constant 0 : i32
      %add3A_379 = arith.addi %mul3A_377, %add3A_378 : i32
      %dma_start3A_380 = arith.constant 2 : i32
      %dma_start3A_381 = arith.constant 0 : i32
      %dma_start3A_382 = arith.constant 0 : i32
      %dma_start3A_383 = tpu.memref_slice %arg6[%dma_start3A_380, %dma_start3A_381, %dma_start3A_382] : memref<4x100x32xf32, #tpu.memory_space<vmem>> -> memref<1x50x32xf32, #tpu.memory_space<vmem>>
      %dma_start3A_384 = tpu.memref_squeeze %dma_start3A_383 : memref<1x50x32xf32, #tpu.memory_space<vmem>> -> memref<50x32xf32, #tpu.memory_space<vmem>>
      %dma_start3A_385 = arith.constant 0 : i32
      %dma_start3A_386 = arith.constant 0 : i32
      %dma_start3A_387 = tpu.memref_slice %arg4[%add3A_379, %dma_start3A_385, %dma_start3A_386] : memref<16384x50x32xf32, #tpu.memory_space<hbm>> -> memref<1x50x32xf32, #tpu.memory_space<hbm>>
      %dma_start3A_388 = tpu.memref_squeeze %dma_start3A_387 : memref<1x50x32xf32, #tpu.memory_space<hbm>> -> memref<50x32xf32, #tpu.memory_space<hbm>>
      %dma_start3A_389 = arith.constant 0 : i32
      %dma_start3A_390 = arith.constant 0 : i32
      %dma_start3A_391 = tpu.memref_slice %arg4[%add3A_379, %dma_start3A_389, %dma_start3A_390] : memref<16384x50x32xf32, #tpu.memory_space<hbm>> -> memref<1x50x32xf32, #tpu.memory_space<hbm>>
      %dma_start3A_392 = tpu.memref_squeeze %dma_start3A_391 : memref<1x50x32xf32, #tpu.memory_space<hbm>> -> memref<50x32xf32, #tpu.memory_space<hbm>>
      %dma_start3A_393 = arith.constant 0 : i32
      %dma_start3A_394 = arith.constant 0 : i32
      %dma_start3A_395 = tpu.memref_slice %arg6[%dma_start3A_380, %dma_start3A_393, %dma_start3A_394] : memref<4x100x32xf32, #tpu.memory_space<vmem>> -> memref<1x50x32xf32, #tpu.memory_space<vmem>>
      %dma_start3A_396 = tpu.memref_squeeze %dma_start3A_395 : memref<1x50x32xf32, #tpu.memory_space<vmem>> -> memref<50x32xf32, #tpu.memory_space<vmem>>
      tpu.enqueue_dma source(%dma_start3A_396 : memref<50x32xf32, #tpu.memory_space<vmem>>) target(%dma_start3A_392 : memref<50x32xf32, #tpu.memory_space<hbm>>) target_semaphore(%arg13 : memref<!tpu.dma_semaphore, #tpu.memory_space<semaphore_mem>>)
      %add3A_397 = arith.addi %mul3A_2, %add3A_374 : i32
      %mul3A_398 = arith.constant 2 : i32
      %mul3A_399 = arith.muli %add3A_397, %mul3A_398 : i32
      %add3A_400 = arith.constant 1 : i32
      %add3A_401 = arith.addi %mul3A_399, %add3A_400 : i32
      %dma_start3A_402 = arith.constant 2 : i32
      %dma_start3A_403 = arith.constant 50 : i32
      %dma_start3A_404 = arith.constant 0 : i32
      %dma_start3A_405 = tpu.memref_slice %arg6[%dma_start3A_402, %dma_start3A_403, %dma_start3A_404] : memref<4x100x32xf32, #tpu.memory_space<vmem>> -> memref<1x50x32xf32, #tpu.memory_space<vmem>>
      %dma_start3A_406 = tpu.memref_squeeze %dma_start3A_405 : memref<1x50x32xf32, #tpu.memory_space<vmem>> -> memref<50x32xf32, #tpu.memory_space<vmem>>
      %dma_start3A_407 = arith.constant 0 : i32
      %dma_start3A_408 = arith.constant 0 : i32
      %dma_start3A_409 = tpu.memref_slice %arg4[%add3A_401, %dma_start3A_407, %dma_start3A_408] : memref<16384x50x32xf32, #tpu.memory_space<hbm>> -> memref<1x50x32xf32, #tpu.memory_space<hbm>>
      %dma_start3A_410 = tpu.memref_squeeze %dma_start3A_409 : memref<1x50x32xf32, #tpu.memory_space<hbm>> -> memref<50x32xf32, #tpu.memory_space<hbm>>
      %dma_start3A_411 = arith.constant 0 : i32
      %dma_start3A_412 = arith.constant 0 : i32
      %dma_start3A_413 = tpu.memref_slice %arg4[%add3A_401, %dma_start3A_411, %dma_start3A_412] : memref<16384x50x32xf32, #tpu.memory_space<hbm>> -> memref<1x50x32xf32, #tpu.memory_space<hbm>>
      %dma_start3A_414 = tpu.memref_squeeze %dma_start3A_413 : memref<1x50x32xf32, #tpu.memory_space<hbm>> -> memref<50x32xf32, #tpu.memory_space<hbm>>
      %dma_start3A_415 = arith.constant 50 : i32
      %dma_start3A_416 = arith.constant 0 : i32
      %dma_start3A_417 = tpu.memref_slice %arg6[%dma_start3A_402, %dma_start3A_415, %dma_start3A_416] : memref<4x100x32xf32, #tpu.memory_space<vmem>> -> memref<1x50x32xf32, #tpu.memory_space<vmem>>
      %dma_start3A_418 = tpu.memref_squeeze %dma_start3A_417 : memref<1x50x32xf32, #tpu.memory_space<vmem>> -> memref<50x32xf32, #tpu.memory_space<vmem>>
      tpu.enqueue_dma source(%dma_start3A_418 : memref<50x32xf32, #tpu.memory_space<vmem>>) target(%dma_start3A_414 : memref<50x32xf32, #tpu.memory_space<hbm>>) target_semaphore(%arg13 : memref<!tpu.dma_semaphore, #tpu.memory_space<semaphore_mem>>)
      %add3A_419 = arith.constant 3 : i32
      %add3A_420 = arith.addi %add3A_241, %add3A_419 : i32
      %dma_wait3A_421 = arith.constant 3 : i32
      %dma_wait3A_422 = arith.constant 0 : i32
      %dma_wait3A_423 = arith.constant 0 : i32
      %dma_wait3A_424 = tpu.memref_slice %arg6[%dma_wait3A_421, %dma_wait3A_422, %dma_wait3A_423] : memref<4x100x32xf32, #tpu.memory_space<vmem>> -> memref<1x100x32xf32, #tpu.memory_space<vmem>>
      %dma_wait3A_425 = tpu.memref_squeeze %dma_wait3A_424 : memref<1x100x32xf32, #tpu.memory_space<vmem>> -> memref<100x32xf32, #tpu.memory_space<vmem>>
      %dma_wait3A_426 = arith.constant 0 : i32
      %dma_wait3A_427 = tpu.memref_slice %arg5[%add3A_420, %dma_wait3A_426] : memref<256x100xi32, #tpu.memory_space<vmem>> -> memref<1x100xi32, #tpu.memory_space<vmem>>
      %dma_wait3A_428 = tpu.memref_squeeze %dma_wait3A_427 : memref<1x100xi32, #tpu.memory_space<vmem>> -> memref<100xi32, #tpu.memory_space<vmem>>
      %dma_wait3A_429 = arith.constant 0 : i32
      %dma_wait3A_430 = arith.constant 0 : i32
      %dma_wait3A_431 = tpu.memref_slice %arg2[%dma_wait3A_429, %dma_wait3A_430] : memref<1000000x32xf32, #tpu.memory_space<hbm>> -> memref<1000000x32xf32, #tpu.memory_space<hbm>>
      tpu.wait_indirect_dma semaphore(%arg10 : memref<!tpu.dma_semaphore, #tpu.memory_space<semaphore_mem>>) src(%dma_wait3A_431 : memref<1000000x32xf32, #tpu.memory_space<hbm>>) dst(%dma_wait3A_425 : memref<100x32xf32, #tpu.memory_space<vmem>>)
      %add3A_432 = arith.constant 3 : i32
      %add3A_433 = arith.addi %add3A_241, %add3A_432 : i32
      %add3A_434 = arith.addi %mul3A_2, %add3A_433 : i32
      %mul3A_435 = arith.constant 2 : i32
      %mul3A_436 = arith.muli %add3A_434, %mul3A_435 : i32
      %add3A_437 = arith.constant 0 : i32
      %add3A_438 = arith.addi %mul3A_436, %add3A_437 : i32
      %dma_start3A_439 = arith.constant 3 : i32
      %dma_start3A_440 = arith.constant 0 : i32
      %dma_start3A_441 = arith.constant 0 : i32
      %dma_start3A_442 = tpu.memref_slice %arg6[%dma_start3A_439, %dma_start3A_440, %dma_start3A_441] : memref<4x100x32xf32, #tpu.memory_space<vmem>> -> memref<1x50x32xf32, #tpu.memory_space<vmem>>
      %dma_start3A_443 = tpu.memref_squeeze %dma_start3A_442 : memref<1x50x32xf32, #tpu.memory_space<vmem>> -> memref<50x32xf32, #tpu.memory_space<vmem>>
      %dma_start3A_444 = arith.constant 0 : i32
      %dma_start3A_445 = arith.constant 0 : i32
      %dma_start3A_446 = tpu.memref_slice %arg4[%add3A_438, %dma_start3A_444, %dma_start3A_445] : memref<16384x50x32xf32, #tpu.memory_space<hbm>> -> memref<1x50x32xf32, #tpu.memory_space<hbm>>
      %dma_start3A_447 = tpu.memref_squeeze %dma_start3A_446 : memref<1x50x32xf32, #tpu.memory_space<hbm>> -> memref<50x32xf32, #tpu.memory_space<hbm>>
      %dma_start3A_448 = arith.constant 0 : i32
      %dma_start3A_449 = arith.constant 0 : i32
      %dma_start3A_450 = tpu.memref_slice %arg4[%add3A_438, %dma_start3A_448, %dma_start3A_449] : memref<16384x50x32xf32, #tpu.memory_space<hbm>> -> memref<1x50x32xf32, #tpu.memory_space<hbm>>
      %dma_start3A_451 = tpu.memref_squeeze %dma_start3A_450 : memref<1x50x32xf32, #tpu.memory_space<hbm>> -> memref<50x32xf32, #tpu.memory_space<hbm>>
      %dma_start3A_452 = arith.constant 0 : i32
      %dma_start3A_453 = arith.constant 0 : i32
      %dma_start3A_454 = tpu.memref_slice %arg6[%dma_start3A_439, %dma_start3A_452, %dma_start3A_453] : memref<4x100x32xf32, #tpu.memory_space<vmem>> -> memref<1x50x32xf32, #tpu.memory_space<vmem>>
      %dma_start3A_455 = tpu.memref_squeeze %dma_start3A_454 : memref<1x50x32xf32, #tpu.memory_space<vmem>> -> memref<50x32xf32, #tpu.memory_space<vmem>>
      tpu.enqueue_dma source(%dma_start3A_455 : memref<50x32xf32, #tpu.memory_space<vmem>>) target(%dma_start3A_451 : memref<50x32xf32, #tpu.memory_space<hbm>>) target_semaphore(%arg14 : memref<!tpu.dma_semaphore, #tpu.memory_space<semaphore_mem>>)
      %add3A_456 = arith.addi %mul3A_2, %add3A_433 : i32
      %mul3A_457 = arith.constant 2 : i32
      %mul3A_458 = arith.muli %add3A_456, %mul3A_457 : i32
      %add3A_459 = arith.constant 1 : i32
      %add3A_460 = arith.addi %mul3A_458, %add3A_459 : i32
      %dma_start3A_461 = arith.constant 3 : i32
      %dma_start3A_462 = arith.constant 50 : i32
      %dma_start3A_463 = arith.constant 0 : i32
      %dma_start3A_464 = tpu.memref_slice %arg6[%dma_start3A_461, %dma_start3A_462, %dma_start3A_463] : memref<4x100x32xf32, #tpu.memory_space<vmem>> -> memref<1x50x32xf32, #tpu.memory_space<vmem>>
      %dma_start3A_465 = tpu.memref_squeeze %dma_start3A_464 : memref<1x50x32xf32, #tpu.memory_space<vmem>> -> memref<50x32xf32, #tpu.memory_space<vmem>>
      %dma_start3A_466 = arith.constant 0 : i32
      %dma_start3A_467 = arith.constant 0 : i32
      %dma_start3A_468 = tpu.memref_slice %arg4[%add3A_460, %dma_start3A_466, %dma_start3A_467] : memref<16384x50x32xf32, #tpu.memory_space<hbm>> -> memref<1x50x32xf32, #tpu.memory_space<hbm>>
      %dma_start3A_469 = tpu.memref_squeeze %dma_start3A_468 : memref<1x50x32xf32, #tpu.memory_space<hbm>> -> memref<50x32xf32, #tpu.memory_space<hbm>>
      %dma_start3A_470 = arith.constant 0 : i32
      %dma_start3A_471 = arith.constant 0 : i32
      %dma_start3A_472 = tpu.memref_slice %arg4[%add3A_460, %dma_start3A_470, %dma_start3A_471] : memref<16384x50x32xf32, #tpu.memory_space<hbm>> -> memref<1x50x32xf32, #tpu.memory_space<hbm>>
      %dma_start3A_473 = tpu.memref_squeeze %dma_start3A_472 : memref<1x50x32xf32, #tpu.memory_space<hbm>> -> memref<50x32xf32, #tpu.memory_space<hbm>>
      %dma_start3A_474 = arith.constant 50 : i32
      %dma_start3A_475 = arith.constant 0 : i32
      %dma_start3A_476 = tpu.memref_slice %arg6[%dma_start3A_461, %dma_start3A_474, %dma_start3A_475] : memref<4x100x32xf32, #tpu.memory_space<vmem>> -> memref<1x50x32xf32, #tpu.memory_space<vmem>>
      %dma_start3A_477 = tpu.memref_squeeze %dma_start3A_476 : memref<1x50x32xf32, #tpu.memory_space<vmem>> -> memref<50x32xf32, #tpu.memory_space<vmem>>
      tpu.enqueue_dma source(%dma_start3A_477 : memref<50x32xf32, #tpu.memory_space<vmem>>) target(%dma_start3A_473 : memref<50x32xf32, #tpu.memory_space<hbm>>) target_semaphore(%arg14 : memref<!tpu.dma_semaphore, #tpu.memory_space<semaphore_mem>>)
      %add3A_478 = arith.constant 0 : i32
      %add3A_479 = arith.addi %add3A_241, %add3A_478 : i32
      %add3A_480 = arith.constant 4 : i32
      %add3A_481 = arith.addi %add3A_479, %add3A_480 : i32
      %lt3A = arith.constant 256 : i32
      %lt3A_482 = arith.cmpi slt, %add3A_481, %lt3A : i32
      %convert_element_type3A = arith.extui %lt3A_482 : i1 to i32
      %cond3A = arith.constant 0 : i32
      %cond3A_483 = arith.cmpi ne, %convert_element_type3A, %cond3A : i32
      scf.if %cond3A_483 {
        %add3A_511 = arith.constant 0 : i32
        %add3A_512 = arith.addi %add3A_241, %add3A_511 : i32
        %add3A_513 = arith.addi %mul3A_2, %add3A_512 : i32
        %mul3A_514 = arith.constant 2 : i32
        %mul3A_515 = arith.muli %add3A_513, %mul3A_514 : i32
        %add3A_516 = arith.constant 0 : i32
        %add3A_517 = arith.addi %mul3A_515, %add3A_516 : i32
        %dma_wait3A_518 = arith.constant 0 : i32
        %dma_wait3A_519 = arith.constant 0 : i32
        %dma_wait3A_520 = arith.constant 0 : i32
        %dma_wait3A_521 = tpu.memref_slice %arg6[%dma_wait3A_518, %dma_wait3A_519, %dma_wait3A_520] : memref<4x100x32xf32, #tpu.memory_space<vmem>> -> memref<1x50x32xf32, #tpu.memory_space<vmem>>
        %dma_wait3A_522 = tpu.memref_squeeze %dma_wait3A_521 : memref<1x50x32xf32, #tpu.memory_space<vmem>> -> memref<50x32xf32, #tpu.memory_space<vmem>>
        %dma_wait3A_523 = arith.constant 0 : i32
        %dma_wait3A_524 = arith.constant 0 : i32
        %dma_wait3A_525 = tpu.memref_slice %arg4[%add3A_517, %dma_wait3A_523, %dma_wait3A_524] : memref<16384x50x32xf32, #tpu.memory_space<hbm>> -> memref<1x50x32xf32, #tpu.memory_space<hbm>>
        %dma_wait3A_526 = tpu.memref_squeeze %dma_wait3A_525 : memref<1x50x32xf32, #tpu.memory_space<hbm>> -> memref<50x32xf32, #tpu.memory_space<hbm>>
        %dma_wait3A_527 = arith.constant 0 : i32
        %dma_wait3A_528 = arith.constant 0 : i32
        %dma_wait3A_529 = tpu.memref_slice %arg4[%add3A_517, %dma_wait3A_527, %dma_wait3A_528] : memref<16384x50x32xf32, #tpu.memory_space<hbm>> -> memref<1x50x32xf32, #tpu.memory_space<hbm>>
        %dma_wait3A_530 = tpu.memref_squeeze %dma_wait3A_529 : memref<1x50x32xf32, #tpu.memory_space<hbm>> -> memref<50x32xf32, #tpu.memory_space<hbm>>
        %dma_wait3A_531 = arith.constant 0 : i32
        %dma_wait3A_532 = arith.constant 0 : i32
        %dma_wait3A_533 = tpu.memref_slice %arg6[%dma_wait3A_518, %dma_wait3A_531, %dma_wait3A_532] : memref<4x100x32xf32, #tpu.memory_space<vmem>> -> memref<1x50x32xf32, #tpu.memory_space<vmem>>
        %dma_wait3A_534 = tpu.memref_squeeze %dma_wait3A_533 : memref<1x50x32xf32, #tpu.memory_space<vmem>> -> memref<50x32xf32, #tpu.memory_space<vmem>>
        tpu.wait_dma2 semaphore(%arg11 : memref<!tpu.dma_semaphore, #tpu.memory_space<semaphore_mem>>) src(%dma_wait3A_534 : memref<50x32xf32, #tpu.memory_space<vmem>>) dst(%dma_wait3A_530 : memref<50x32xf32, #tpu.memory_space<hbm>>)
        %add3A_535 = arith.addi %mul3A_2, %add3A_512 : i32
        %mul3A_536 = arith.constant 2 : i32
        %mul3A_537 = arith.muli %add3A_535, %mul3A_536 : i32
        %add3A_538 = arith.constant 1 : i32
        %add3A_539 = arith.addi %mul3A_537, %add3A_538 : i32
        %dma_wait3A_540 = arith.constant 0 : i32
        %dma_wait3A_541 = arith.constant 50 : i32
        %dma_wait3A_542 = arith.constant 0 : i32
        %dma_wait3A_543 = tpu.memref_slice %arg6[%dma_wait3A_540, %dma_wait3A_541, %dma_wait3A_542] : memref<4x100x32xf32, #tpu.memory_space<vmem>> -> memref<1x50x32xf32, #tpu.memory_space<vmem>>
        %dma_wait3A_544 = tpu.memref_squeeze %dma_wait3A_543 : memref<1x50x32xf32, #tpu.memory_space<vmem>> -> memref<50x32xf32, #tpu.memory_space<vmem>>
        %dma_wait3A_545 = arith.constant 0 : i32
        %dma_wait3A_546 = arith.constant 0 : i32
        %dma_wait3A_547 = tpu.memref_slice %arg4[%add3A_539, %dma_wait3A_545, %dma_wait3A_546] : memref<16384x50x32xf32, #tpu.memory_space<hbm>> -> memref<1x50x32xf32, #tpu.memory_space<hbm>>
        %dma_wait3A_548 = tpu.memref_squeeze %dma_wait3A_547 : memref<1x50x32xf32, #tpu.memory_space<hbm>> -> memref<50x32xf32, #tpu.memory_space<hbm>>
        %dma_wait3A_549 = arith.constant 0 : i32
        %dma_wait3A_550 = arith.constant 0 : i32
        %dma_wait3A_551 = tpu.memref_slice %arg4[%add3A_539, %dma_wait3A_549, %dma_wait3A_550] : memref<16384x50x32xf32, #tpu.memory_space<hbm>> -> memref<1x50x32xf32, #tpu.memory_space<hbm>>
        %dma_wait3A_552 = tpu.memref_squeeze %dma_wait3A_551 : memref<1x50x32xf32, #tpu.memory_space<hbm>> -> memref<50x32xf32, #tpu.memory_space<hbm>>
        %dma_wait3A_553 = arith.constant 50 : i32
        %dma_wait3A_554 = arith.constant 0 : i32
        %dma_wait3A_555 = tpu.memref_slice %arg6[%dma_wait3A_540, %dma_wait3A_553, %dma_wait3A_554] : memref<4x100x32xf32, #tpu.memory_space<vmem>> -> memref<1x50x32xf32, #tpu.memory_space<vmem>>
        %dma_wait3A_556 = tpu.memref_squeeze %dma_wait3A_555 : memref<1x50x32xf32, #tpu.memory_space<vmem>> -> memref<50x32xf32, #tpu.memory_space<vmem>>
        tpu.wait_dma2 semaphore(%arg11 : memref<!tpu.dma_semaphore, #tpu.memory_space<semaphore_mem>>) src(%dma_wait3A_556 : memref<50x32xf32, #tpu.memory_space<vmem>>) dst(%dma_wait3A_552 : memref<50x32xf32, #tpu.memory_space<hbm>>)
        %dma_start3A_557 = arith.constant 0 : i32
        %dma_start3A_558 = arith.constant 0 : i32
        %dma_start3A_559 = arith.constant 0 : i32
        %dma_start3A_560 = tpu.memref_slice %arg6[%dma_start3A_557, %dma_start3A_558, %dma_start3A_559] : memref<4x100x32xf32, #tpu.memory_space<vmem>> -> memref<1x100x32xf32, #tpu.memory_space<vmem>>
        %dma_start3A_561 = tpu.memref_squeeze %dma_start3A_560 : memref<1x100x32xf32, #tpu.memory_space<vmem>> -> memref<100x32xf32, #tpu.memory_space<vmem>>
        %dma_start3A_562 = arith.constant 0 : i32
        %dma_start3A_563 = tpu.memref_slice %arg5[%add3A_481, %dma_start3A_562] : memref<256x100xi32, #tpu.memory_space<vmem>> -> memref<1x100xi32, #tpu.memory_space<vmem>>
        %dma_start3A_564 = tpu.memref_squeeze %dma_start3A_563 : memref<1x100xi32, #tpu.memory_space<vmem>> -> memref<100xi32, #tpu.memory_space<vmem>>
        %dma_start3A_565 = arith.constant 0 : i32
        %dma_start3A_566 = arith.constant 0 : i32
        %dma_start3A_567 = tpu.memref_slice %arg2[%dma_start3A_565, %dma_start3A_566] : memref<1000000x32xf32, #tpu.memory_space<hbm>> -> memref<1000000x32xf32, #tpu.memory_space<hbm>>
        tpu.enqueue_indirect_dma source(%dma_start3A_567 : memref<1000000x32xf32, #tpu.memory_space<hbm>>) target(%dma_start3A_561 : memref<100x32xf32, #tpu.memory_space<vmem>>) offsets(%dma_start3A_564 : memref<100xi32, #tpu.memory_space<vmem>>) semaphore(%arg7 : memref<!tpu.dma_semaphore, #tpu.memory_space<semaphore_mem>>)
      } else {
      }
      %add3A_484 = arith.constant 1 : i32
      %add3A_485 = arith.addi %add3A_241, %add3A_484 : i32
      %add3A_486 = arith.constant 4 : i32
      %add3A_487 = arith.addi %add3A_485, %add3A_486 : i32
      %lt3A_488 = arith.constant 256 : i32
      %lt3A_489 = arith.cmpi slt, %add3A_487, %lt3A_488 : i32
      %convert_element_type3A_490 = arith.extui %lt3A_489 : i1 to i32
      %cond3A_491 = arith.constant 0 : i32
      %cond3A_492 = arith.cmpi ne, %convert_element_type3A_490, %cond3A_491 : i32
      scf.if %cond3A_492 {
        %add3A_511 = arith.constant 1 : i32
        %add3A_512 = arith.addi %add3A_241, %add3A_511 : i32
        %add3A_513 = arith.addi %mul3A_2, %add3A_512 : i32
        %mul3A_514 = arith.constant 2 : i32
        %mul3A_515 = arith.muli %add3A_513, %mul3A_514 : i32
        %add3A_516 = arith.constant 0 : i32
        %add3A_517 = arith.addi %mul3A_515, %add3A_516 : i32
        %dma_wait3A_518 = arith.constant 1 : i32
        %dma_wait3A_519 = arith.constant 0 : i32
        %dma_wait3A_520 = arith.constant 0 : i32
        %dma_wait3A_521 = tpu.memref_slice %arg6[%dma_wait3A_518, %dma_wait3A_519, %dma_wait3A_520] : memref<4x100x32xf32, #tpu.memory_space<vmem>> -> memref<1x50x32xf32, #tpu.memory_space<vmem>>
        %dma_wait3A_522 = tpu.memref_squeeze %dma_wait3A_521 : memref<1x50x32xf32, #tpu.memory_space<vmem>> -> memref<50x32xf32, #tpu.memory_space<vmem>>
        %dma_wait3A_523 = arith.constant 0 : i32
        %dma_wait3A_524 = arith.constant 0 : i32
        %dma_wait3A_525 = tpu.memref_slice %arg4[%add3A_517, %dma_wait3A_523, %dma_wait3A_524] : memref<16384x50x32xf32, #tpu.memory_space<hbm>> -> memref<1x50x32xf32, #tpu.memory_space<hbm>>
        %dma_wait3A_526 = tpu.memref_squeeze %dma_wait3A_525 : memref<1x50x32xf32, #tpu.memory_space<hbm>> -> memref<50x32xf32, #tpu.memory_space<hbm>>
        %dma_wait3A_527 = arith.constant 0 : i32
        %dma_wait3A_528 = arith.constant 0 : i32
        %dma_wait3A_529 = tpu.memref_slice %arg4[%add3A_517, %dma_wait3A_527, %dma_wait3A_528] : memref<16384x50x32xf32, #tpu.memory_space<hbm>> -> memref<1x50x32xf32, #tpu.memory_space<hbm>>
        %dma_wait3A_530 = tpu.memref_squeeze %dma_wait3A_529 : memref<1x50x32xf32, #tpu.memory_space<hbm>> -> memref<50x32xf32, #tpu.memory_space<hbm>>
        %dma_wait3A_531 = arith.constant 0 : i32
        %dma_wait3A_532 = arith.constant 0 : i32
        %dma_wait3A_533 = tpu.memref_slice %arg6[%dma_wait3A_518, %dma_wait3A_531, %dma_wait3A_532] : memref<4x100x32xf32, #tpu.memory_space<vmem>> -> memref<1x50x32xf32, #tpu.memory_space<vmem>>
        %dma_wait3A_534 = tpu.memref_squeeze %dma_wait3A_533 : memref<1x50x32xf32, #tpu.memory_space<vmem>> -> memref<50x32xf32, #tpu.memory_space<vmem>>
        tpu.wait_dma2 semaphore(%arg12 : memref<!tpu.dma_semaphore, #tpu.memory_space<semaphore_mem>>) src(%dma_wait3A_534 : memref<50x32xf32, #tpu.memory_space<vmem>>) dst(%dma_wait3A_530 : memref<50x32xf32, #tpu.memory_space<hbm>>)
        %add3A_535 = arith.addi %mul3A_2, %add3A_512 : i32
        %mul3A_536 = arith.constant 2 : i32
        %mul3A_537 = arith.muli %add3A_535, %mul3A_536 : i32
        %add3A_538 = arith.constant 1 : i32
        %add3A_539 = arith.addi %mul3A_537, %add3A_538 : i32
        %dma_wait3A_540 = arith.constant 1 : i32
        %dma_wait3A_541 = arith.constant 50 : i32
        %dma_wait3A_542 = arith.constant 0 : i32
        %dma_wait3A_543 = tpu.memref_slice %arg6[%dma_wait3A_540, %dma_wait3A_541, %dma_wait3A_542] : memref<4x100x32xf32, #tpu.memory_space<vmem>> -> memref<1x50x32xf32, #tpu.memory_space<vmem>>
        %dma_wait3A_544 = tpu.memref_squeeze %dma_wait3A_543 : memref<1x50x32xf32, #tpu.memory_space<vmem>> -> memref<50x32xf32, #tpu.memory_space<vmem>>
        %dma_wait3A_545 = arith.constant 0 : i32
        %dma_wait3A_546 = arith.constant 0 : i32
        %dma_wait3A_547 = tpu.memref_slice %arg4[%add3A_539, %dma_wait3A_545, %dma_wait3A_546] : memref<16384x50x32xf32, #tpu.memory_space<hbm>> -> memref<1x50x32xf32, #tpu.memory_space<hbm>>
        %dma_wait3A_548 = tpu.memref_squeeze %dma_wait3A_547 : memref<1x50x32xf32, #tpu.memory_space<hbm>> -> memref<50x32xf32, #tpu.memory_space<hbm>>
        %dma_wait3A_549 = arith.constant 0 : i32
        %dma_wait3A_550 = arith.constant 0 : i32
        %dma_wait3A_551 = tpu.memref_slice %arg4[%add3A_539, %dma_wait3A_549, %dma_wait3A_550] : memref<16384x50x32xf32, #tpu.memory_space<hbm>> -> memref<1x50x32xf32, #tpu.memory_space<hbm>>
        %dma_wait3A_552 = tpu.memref_squeeze %dma_wait3A_551 : memref<1x50x32xf32, #tpu.memory_space<hbm>> -> memref<50x32xf32, #tpu.memory_space<hbm>>
        %dma_wait3A_553 = arith.constant 50 : i32
        %dma_wait3A_554 = arith.constant 0 : i32
        %dma_wait3A_555 = tpu.memref_slice %arg6[%dma_wait3A_540, %dma_wait3A_553, %dma_wait3A_554] : memref<4x100x32xf32, #tpu.memory_space<vmem>> -> memref<1x50x32xf32, #tpu.memory_space<vmem>>
        %dma_wait3A_556 = tpu.memref_squeeze %dma_wait3A_555 : memref<1x50x32xf32, #tpu.memory_space<vmem>> -> memref<50x32xf32, #tpu.memory_space<vmem>>
        tpu.wait_dma2 semaphore(%arg12 : memref<!tpu.dma_semaphore, #tpu.memory_space<semaphore_mem>>) src(%dma_wait3A_556 : memref<50x32xf32, #tpu.memory_space<vmem>>) dst(%dma_wait3A_552 : memref<50x32xf32, #tpu.memory_space<hbm>>)
        %dma_start3A_557 = arith.constant 1 : i32
        %dma_start3A_558 = arith.constant 0 : i32
        %dma_start3A_559 = arith.constant 0 : i32
        %dma_start3A_560 = tpu.memref_slice %arg6[%dma_start3A_557, %dma_start3A_558, %dma_start3A_559] : memref<4x100x32xf32, #tpu.memory_space<vmem>> -> memref<1x100x32xf32, #tpu.memory_space<vmem>>
        %dma_start3A_561 = tpu.memref_squeeze %dma_start3A_560 : memref<1x100x32xf32, #tpu.memory_space<vmem>> -> memref<100x32xf32, #tpu.memory_space<vmem>>
        %dma_start3A_562 = arith.constant 0 : i32
        %dma_start3A_563 = tpu.memref_slice %arg5[%add3A_487, %dma_start3A_562] : memref<256x100xi32, #tpu.memory_space<vmem>> -> memref<1x100xi32, #tpu.memory_space<vmem>>
        %dma_start3A_564 = tpu.memref_squeeze %dma_start3A_563 : memref<1x100xi32, #tpu.memory_space<vmem>> -> memref<100xi32, #tpu.memory_space<vmem>>
        %dma_start3A_565 = arith.constant 0 : i32
        %dma_start3A_566 = arith.constant 0 : i32
        %dma_start3A_567 = tpu.memref_slice %arg2[%dma_start3A_565, %dma_start3A_566] : memref<1000000x32xf32, #tpu.memory_space<hbm>> -> memref<1000000x32xf32, #tpu.memory_space<hbm>>
        tpu.enqueue_indirect_dma source(%dma_start3A_567 : memref<1000000x32xf32, #tpu.memory_space<hbm>>) target(%dma_start3A_561 : memref<100x32xf32, #tpu.memory_space<vmem>>) offsets(%dma_start3A_564 : memref<100xi32, #tpu.memory_space<vmem>>) semaphore(%arg8 : memref<!tpu.dma_semaphore, #tpu.memory_space<semaphore_mem>>)
      } else {
      }
      %add3A_493 = arith.constant 2 : i32
      %add3A_494 = arith.addi %add3A_241, %add3A_493 : i32
      %add3A_495 = arith.constant 4 : i32
      %add3A_496 = arith.addi %add3A_494, %add3A_495 : i32
      %lt3A_497 = arith.constant 256 : i32
      %lt3A_498 = arith.cmpi slt, %add3A_496, %lt3A_497 : i32
      %convert_element_type3A_499 = arith.extui %lt3A_498 : i1 to i32
      %cond3A_500 = arith.constant 0 : i32
      %cond3A_501 = arith.cmpi ne, %convert_element_type3A_499, %cond3A_500 : i32
      scf.if %cond3A_501 {
        %add3A_511 = arith.constant 2 : i32
        %add3A_512 = arith.addi %add3A_241, %add3A_511 : i32
        %add3A_513 = arith.addi %mul3A_2, %add3A_512 : i32
        %mul3A_514 = arith.constant 2 : i32
        %mul3A_515 = arith.muli %add3A_513, %mul3A_514 : i32
        %add3A_516 = arith.constant 0 : i32
        %add3A_517 = arith.addi %mul3A_515, %add3A_516 : i32
        %dma_wait3A_518 = arith.constant 2 : i32
        %dma_wait3A_519 = arith.constant 0 : i32
        %dma_wait3A_520 = arith.constant 0 : i32
        %dma_wait3A_521 = tpu.memref_slice %arg6[%dma_wait3A_518, %dma_wait3A_519, %dma_wait3A_520] : memref<4x100x32xf32, #tpu.memory_space<vmem>> -> memref<1x50x32xf32, #tpu.memory_space<vmem>>
        %dma_wait3A_522 = tpu.memref_squeeze %dma_wait3A_521 : memref<1x50x32xf32, #tpu.memory_space<vmem>> -> memref<50x32xf32, #tpu.memory_space<vmem>>
        %dma_wait3A_523 = arith.constant 0 : i32
        %dma_wait3A_524 = arith.constant 0 : i32
        %dma_wait3A_525 = tpu.memref_slice %arg4[%add3A_517, %dma_wait3A_523, %dma_wait3A_524] : memref<16384x50x32xf32, #tpu.memory_space<hbm>> -> memref<1x50x32xf32, #tpu.memory_space<hbm>>
        %dma_wait3A_526 = tpu.memref_squeeze %dma_wait3A_525 : memref<1x50x32xf32, #tpu.memory_space<hbm>> -> memref<50x32xf32, #tpu.memory_space<hbm>>
        %dma_wait3A_527 = arith.constant 0 : i32
        %dma_wait3A_528 = arith.constant 0 : i32
        %dma_wait3A_529 = tpu.memref_slice %arg4[%add3A_517, %dma_wait3A_527, %dma_wait3A_528] : memref<16384x50x32xf32, #tpu.memory_space<hbm>> -> memref<1x50x32xf32, #tpu.memory_space<hbm>>
        %dma_wait3A_530 = tpu.memref_squeeze %dma_wait3A_529 : memref<1x50x32xf32, #tpu.memory_space<hbm>> -> memref<50x32xf32, #tpu.memory_space<hbm>>
        %dma_wait3A_531 = arith.constant 0 : i32
        %dma_wait3A_532 = arith.constant 0 : i32
        %dma_wait3A_533 = tpu.memref_slice %arg6[%dma_wait3A_518, %dma_wait3A_531, %dma_wait3A_532] : memref<4x100x32xf32, #tpu.memory_space<vmem>> -> memref<1x50x32xf32, #tpu.memory_space<vmem>>
        %dma_wait3A_534 = tpu.memref_squeeze %dma_wait3A_533 : memref<1x50x32xf32, #tpu.memory_space<vmem>> -> memref<50x32xf32, #tpu.memory_space<vmem>>
        tpu.wait_dma2 semaphore(%arg13 : memref<!tpu.dma_semaphore, #tpu.memory_space<semaphore_mem>>) src(%dma_wait3A_534 : memref<50x32xf32, #tpu.memory_space<vmem>>) dst(%dma_wait3A_530 : memref<50x32xf32, #tpu.memory_space<hbm>>)
        %add3A_535 = arith.addi %mul3A_2, %add3A_512 : i32
        %mul3A_536 = arith.constant 2 : i32
        %mul3A_537 = arith.muli %add3A_535, %mul3A_536 : i32
        %add3A_538 = arith.constant 1 : i32
        %add3A_539 = arith.addi %mul3A_537, %add3A_538 : i32
        %dma_wait3A_540 = arith.constant 2 : i32
        %dma_wait3A_541 = arith.constant 50 : i32
        %dma_wait3A_542 = arith.constant 0 : i32
        %dma_wait3A_543 = tpu.memref_slice %arg6[%dma_wait3A_540, %dma_wait3A_541, %dma_wait3A_542] : memref<4x100x32xf32, #tpu.memory_space<vmem>> -> memref<1x50x32xf32, #tpu.memory_space<vmem>>
        %dma_wait3A_544 = tpu.memref_squeeze %dma_wait3A_543 : memref<1x50x32xf32, #tpu.memory_space<vmem>> -> memref<50x32xf32, #tpu.memory_space<vmem>>
        %dma_wait3A_545 = arith.constant 0 : i32
        %dma_wait3A_546 = arith.constant 0 : i32
        %dma_wait3A_547 = tpu.memref_slice %arg4[%add3A_539, %dma_wait3A_545, %dma_wait3A_546] : memref<16384x50x32xf32, #tpu.memory_space<hbm>> -> memref<1x50x32xf32, #tpu.memory_space<hbm>>
        %dma_wait3A_548 = tpu.memref_squeeze %dma_wait3A_547 : memref<1x50x32xf32, #tpu.memory_space<hbm>> -> memref<50x32xf32, #tpu.memory_space<hbm>>
        %dma_wait3A_549 = arith.constant 0 : i32
        %dma_wait3A_550 = arith.constant 0 : i32
        %dma_wait3A_551 = tpu.memref_slice %arg4[%add3A_539, %dma_wait3A_549, %dma_wait3A_550] : memref<16384x50x32xf32, #tpu.memory_space<hbm>> -> memref<1x50x32xf32, #tpu.memory_space<hbm>>
        %dma_wait3A_552 = tpu.memref_squeeze %dma_wait3A_551 : memref<1x50x32xf32, #tpu.memory_space<hbm>> -> memref<50x32xf32, #tpu.memory_space<hbm>>
        %dma_wait3A_553 = arith.constant 50 : i32
        %dma_wait3A_554 = arith.constant 0 : i32
        %dma_wait3A_555 = tpu.memref_slice %arg6[%dma_wait3A_540, %dma_wait3A_553, %dma_wait3A_554] : memref<4x100x32xf32, #tpu.memory_space<vmem>> -> memref<1x50x32xf32, #tpu.memory_space<vmem>>
        %dma_wait3A_556 = tpu.memref_squeeze %dma_wait3A_555 : memref<1x50x32xf32, #tpu.memory_space<vmem>> -> memref<50x32xf32, #tpu.memory_space<vmem>>
        tpu.wait_dma2 semaphore(%arg13 : memref<!tpu.dma_semaphore, #tpu.memory_space<semaphore_mem>>) src(%dma_wait3A_556 : memref<50x32xf32, #tpu.memory_space<vmem>>) dst(%dma_wait3A_552 : memref<50x32xf32, #tpu.memory_space<hbm>>)
        %dma_start3A_557 = arith.constant 2 : i32
        %dma_start3A_558 = arith.constant 0 : i32
        %dma_start3A_559 = arith.constant 0 : i32
        %dma_start3A_560 = tpu.memref_slice %arg6[%dma_start3A_557, %dma_start3A_558, %dma_start3A_559] : memref<4x100x32xf32, #tpu.memory_space<vmem>> -> memref<1x100x32xf32, #tpu.memory_space<vmem>>
        %dma_start3A_561 = tpu.memref_squeeze %dma_start3A_560 : memref<1x100x32xf32, #tpu.memory_space<vmem>> -> memref<100x32xf32, #tpu.memory_space<vmem>>
        %dma_start3A_562 = arith.constant 0 : i32
        %dma_start3A_563 = tpu.memref_slice %arg5[%add3A_496, %dma_start3A_562] : memref<256x100xi32, #tpu.memory_space<vmem>> -> memref<1x100xi32, #tpu.memory_space<vmem>>
        %dma_start3A_564 = tpu.memref_squeeze %dma_start3A_563 : memref<1x100xi32, #tpu.memory_space<vmem>> -> memref<100xi32, #tpu.memory_space<vmem>>
        %dma_start3A_565 = arith.constant 0 : i32
        %dma_start3A_566 = arith.constant 0 : i32
        %dma_start3A_567 = tpu.memref_slice %arg2[%dma_start3A_565, %dma_start3A_566] : memref<1000000x32xf32, #tpu.memory_space<hbm>> -> memref<1000000x32xf32, #tpu.memory_space<hbm>>
        tpu.enqueue_indirect_dma source(%dma_start3A_567 : memref<1000000x32xf32, #tpu.memory_space<hbm>>) target(%dma_start3A_561 : memref<100x32xf32, #tpu.memory_space<vmem>>) offsets(%dma_start3A_564 : memref<100xi32, #tpu.memory_space<vmem>>) semaphore(%arg9 : memref<!tpu.dma_semaphore, #tpu.memory_space<semaphore_mem>>)
      } else {
      }
      %add3A_502 = arith.constant 3 : i32
      %add3A_503 = arith.addi %add3A_241, %add3A_502 : i32
      %add3A_504 = arith.constant 4 : i32
      %add3A_505 = arith.addi %add3A_503, %add3A_504 : i32
      %lt3A_506 = arith.constant 256 : i32
      %lt3A_507 = arith.cmpi slt, %add3A_505, %lt3A_506 : i32
      %convert_element_type3A_508 = arith.extui %lt3A_507 : i1 to i32
      %cond3A_509 = arith.constant 0 : i32
      %cond3A_510 = arith.cmpi ne, %convert_element_type3A_508, %cond3A_509 : i32
      scf.if %cond3A_510 {
        %add3A_511 = arith.constant 3 : i32
        %add3A_512 = arith.addi %add3A_241, %add3A_511 : i32
        %add3A_513 = arith.addi %mul3A_2, %add3A_512 : i32
        %mul3A_514 = arith.constant 2 : i32
        %mul3A_515 = arith.muli %add3A_513, %mul3A_514 : i32
        %add3A_516 = arith.constant 0 : i32
        %add3A_517 = arith.addi %mul3A_515, %add3A_516 : i32
        %dma_wait3A_518 = arith.constant 3 : i32
        %dma_wait3A_519 = arith.constant 0 : i32
        %dma_wait3A_520 = arith.constant 0 : i32
        %dma_wait3A_521 = tpu.memref_slice %arg6[%dma_wait3A_518, %dma_wait3A_519, %dma_wait3A_520] : memref<4x100x32xf32, #tpu.memory_space<vmem>> -> memref<1x50x32xf32, #tpu.memory_space<vmem>>
        %dma_wait3A_522 = tpu.memref_squeeze %dma_wait3A_521 : memref<1x50x32xf32, #tpu.memory_space<vmem>> -> memref<50x32xf32, #tpu.memory_space<vmem>>
        %dma_wait3A_523 = arith.constant 0 : i32
        %dma_wait3A_524 = arith.constant 0 : i32
        %dma_wait3A_525 = tpu.memref_slice %arg4[%add3A_517, %dma_wait3A_523, %dma_wait3A_524] : memref<16384x50x32xf32, #tpu.memory_space<hbm>> -> memref<1x50x32xf32, #tpu.memory_space<hbm>>
        %dma_wait3A_526 = tpu.memref_squeeze %dma_wait3A_525 : memref<1x50x32xf32, #tpu.memory_space<hbm>> -> memref<50x32xf32, #tpu.memory_space<hbm>>
        %dma_wait3A_527 = arith.constant 0 : i32
        %dma_wait3A_528 = arith.constant 0 : i32
        %dma_wait3A_529 = tpu.memref_slice %arg4[%add3A_517, %dma_wait3A_527, %dma_wait3A_528] : memref<16384x50x32xf32, #tpu.memory_space<hbm>> -> memref<1x50x32xf32, #tpu.memory_space<hbm>>
        %dma_wait3A_530 = tpu.memref_squeeze %dma_wait3A_529 : memref<1x50x32xf32, #tpu.memory_space<hbm>> -> memref<50x32xf32, #tpu.memory_space<hbm>>
        %dma_wait3A_531 = arith.constant 0 : i32
        %dma_wait3A_532 = arith.constant 0 : i32
        %dma_wait3A_533 = tpu.memref_slice %arg6[%dma_wait3A_518, %dma_wait3A_531, %dma_wait3A_532] : memref<4x100x32xf32, #tpu.memory_space<vmem>> -> memref<1x50x32xf32, #tpu.memory_space<vmem>>
        %dma_wait3A_534 = tpu.memref_squeeze %dma_wait3A_533 : memref<1x50x32xf32, #tpu.memory_space<vmem>> -> memref<50x32xf32, #tpu.memory_space<vmem>>
        tpu.wait_dma2 semaphore(%arg14 : memref<!tpu.dma_semaphore, #tpu.memory_space<semaphore_mem>>) src(%dma_wait3A_534 : memref<50x32xf32, #tpu.memory_space<vmem>>) dst(%dma_wait3A_530 : memref<50x32xf32, #tpu.memory_space<hbm>>)
        %add3A_535 = arith.addi %mul3A_2, %add3A_512 : i32
        %mul3A_536 = arith.constant 2 : i32
        %mul3A_537 = arith.muli %add3A_535, %mul3A_536 : i32
        %add3A_538 = arith.constant 1 : i32
        %add3A_539 = arith.addi %mul3A_537, %add3A_538 : i32
        %dma_wait3A_540 = arith.constant 3 : i32
        %dma_wait3A_541 = arith.constant 50 : i32
        %dma_wait3A_542 = arith.constant 0 : i32
        %dma_wait3A_543 = tpu.memref_slice %arg6[%dma_wait3A_540, %dma_wait3A_541, %dma_wait3A_542] : memref<4x100x32xf32, #tpu.memory_space<vmem>> -> memref<1x50x32xf32, #tpu.memory_space<vmem>>
        %dma_wait3A_544 = tpu.memref_squeeze %dma_wait3A_543 : memref<1x50x32xf32, #tpu.memory_space<vmem>> -> memref<50x32xf32, #tpu.memory_space<vmem>>
        %dma_wait3A_545 = arith.constant 0 : i32
        %dma_wait3A_546 = arith.constant 0 : i32
        %dma_wait3A_547 = tpu.memref_slice %arg4[%add3A_539, %dma_wait3A_545, %dma_wait3A_546] : memref<16384x50x32xf32, #tpu.memory_space<hbm>> -> memref<1x50x32xf32, #tpu.memory_space<hbm>>
        %dma_wait3A_548 = tpu.memref_squeeze %dma_wait3A_547 : memref<1x50x32xf32, #tpu.memory_space<hbm>> -> memref<50x32xf32, #tpu.memory_space<hbm>>
        %dma_wait3A_549 = arith.constant 0 : i32
        %dma_wait3A_550 = arith.constant 0 : i32
        %dma_wait3A_551 = tpu.memref_slice %arg4[%add3A_539, %dma_wait3A_549, %dma_wait3A_550] : memref<16384x50x32xf32, #tpu.memory_space<hbm>> -> memref<1x50x32xf32, #tpu.memory_space<hbm>>
        %dma_wait3A_552 = tpu.memref_squeeze %dma_wait3A_551 : memref<1x50x32xf32, #tpu.memory_space<hbm>> -> memref<50x32xf32, #tpu.memory_space<hbm>>
        %dma_wait3A_553 = arith.constant 50 : i32
        %dma_wait3A_554 = arith.constant 0 : i32
        %dma_wait3A_555 = tpu.memref_slice %arg6[%dma_wait3A_540, %dma_wait3A_553, %dma_wait3A_554] : memref<4x100x32xf32, #tpu.memory_space<vmem>> -> memref<1x50x32xf32, #tpu.memory_space<vmem>>
        %dma_wait3A_556 = tpu.memref_squeeze %dma_wait3A_555 : memref<1x50x32xf32, #tpu.memory_space<vmem>> -> memref<50x32xf32, #tpu.memory_space<vmem>>
        tpu.wait_dma2 semaphore(%arg14 : memref<!tpu.dma_semaphore, #tpu.memory_space<semaphore_mem>>) src(%dma_wait3A_556 : memref<50x32xf32, #tpu.memory_space<vmem>>) dst(%dma_wait3A_552 : memref<50x32xf32, #tpu.memory_space<hbm>>)
        %dma_start3A_557 = arith.constant 3 : i32
        %dma_start3A_558 = arith.constant 0 : i32
        %dma_start3A_559 = arith.constant 0 : i32
        %dma_start3A_560 = tpu.memref_slice %arg6[%dma_start3A_557, %dma_start3A_558, %dma_start3A_559] : memref<4x100x32xf32, #tpu.memory_space<vmem>> -> memref<1x100x32xf32, #tpu.memory_space<vmem>>
        %dma_start3A_561 = tpu.memref_squeeze %dma_start3A_560 : memref<1x100x32xf32, #tpu.memory_space<vmem>> -> memref<100x32xf32, #tpu.memory_space<vmem>>
        %dma_start3A_562 = arith.constant 0 : i32
        %dma_start3A_563 = tpu.memref_slice %arg5[%add3A_505, %dma_start3A_562] : memref<256x100xi32, #tpu.memory_space<vmem>> -> memref<1x100xi32, #tpu.memory_space<vmem>>
        %dma_start3A_564 = tpu.memref_squeeze %dma_start3A_563 : memref<1x100xi32, #tpu.memory_space<vmem>> -> memref<100xi32, #tpu.memory_space<vmem>>
        %dma_start3A_565 = arith.constant 0 : i32
        %dma_start3A_566 = arith.constant 0 : i32
        %dma_start3A_567 = tpu.memref_slice %arg2[%dma_start3A_565, %dma_start3A_566] : memref<1000000x32xf32, #tpu.memory_space<hbm>> -> memref<1000000x32xf32, #tpu.memory_space<hbm>>
        tpu.enqueue_indirect_dma source(%dma_start3A_567 : memref<1000000x32xf32, #tpu.memory_space<hbm>>) target(%dma_start3A_561 : memref<100x32xf32, #tpu.memory_space<vmem>>) offsets(%dma_start3A_564 : memref<100xi32, #tpu.memory_space<vmem>>) semaphore(%arg10 : memref<!tpu.dma_semaphore, #tpu.memory_space<semaphore_mem>>)
      } else {
      }
    }
    %scan3A_53 = arith.constant 64 : i32
    %add3A_54 = arith.constant 252 : i32
    %add3A_55 = arith.addi %mul3A_2, %add3A_54 : i32
    %mul3A_56 = arith.constant 2 : i32
    %mul3A_57 = arith.muli %add3A_55, %mul3A_56 : i32
    %add3A_58 = arith.constant 0 : i32
    %add3A_59 = arith.addi %mul3A_57, %add3A_58 : i32
    %dma_wait3A = arith.constant 0 : i32
    %dma_wait3A_60 = arith.constant 0 : i32
    %dma_wait3A_61 = arith.constant 0 : i32
    %dma_wait3A_62 = tpu.memref_slice %arg6[%dma_wait3A, %dma_wait3A_60, %dma_wait3A_61] : memref<4x100x32xf32, #tpu.memory_space<vmem>> -> memref<1x50x32xf32, #tpu.memory_space<vmem>>
    %dma_wait3A_63 = tpu.memref_squeeze %dma_wait3A_62 : memref<1x50x32xf32, #tpu.memory_space<vmem>> -> memref<50x32xf32, #tpu.memory_space<vmem>>
    %dma_wait3A_64 = arith.constant 0 : i32
    %dma_wait3A_65 = arith.constant 0 : i32
    %dma_wait3A_66 = tpu.memref_slice %arg4[%add3A_59, %dma_wait3A_64, %dma_wait3A_65] : memref<16384x50x32xf32, #tpu.memory_space<hbm>> -> memref<1x50x32xf32, #tpu.memory_space<hbm>>
    %dma_wait3A_67 = tpu.memref_squeeze %dma_wait3A_66 : memref<1x50x32xf32, #tpu.memory_space<hbm>> -> memref<50x32xf32, #tpu.memory_space<hbm>>
    %dma_wait3A_68 = arith.constant 0 : i32
    %dma_wait3A_69 = arith.constant 0 : i32
    %dma_wait3A_70 = tpu.memref_slice %arg4[%add3A_59, %dma_wait3A_68, %dma_wait3A_69] : memref<16384x50x32xf32, #tpu.memory_space<hbm>> -> memref<1x50x32xf32, #tpu.memory_space<hbm>>
    %dma_wait3A_71 = tpu.memref_squeeze %dma_wait3A_70 : memref<1x50x32xf32, #tpu.memory_space<hbm>> -> memref<50x32xf32, #tpu.memory_space<hbm>>
    %dma_wait3A_72 = arith.constant 0 : i32
    %dma_wait3A_73 = arith.constant 0 : i32
    %dma_wait3A_74 = tpu.memref_slice %arg6[%dma_wait3A, %dma_wait3A_72, %dma_wait3A_73] : memref<4x100x32xf32, #tpu.memory_space<vmem>> -> memref<1x50x32xf32, #tpu.memory_space<vmem>>
    %dma_wait3A_75 = tpu.memref_squeeze %dma_wait3A_74 : memref<1x50x32xf32, #tpu.memory_space<vmem>> -> memref<50x32xf32, #tpu.memory_space<vmem>>
    tpu.wait_dma2 semaphore(%arg11 : memref<!tpu.dma_semaphore, #tpu.memory_space<semaphore_mem>>) src(%dma_wait3A_75 : memref<50x32xf32, #tpu.memory_space<vmem>>) dst(%dma_wait3A_71 : memref<50x32xf32, #tpu.memory_space<hbm>>)
    %add3A_76 = arith.constant 252 : i32
    %add3A_77 = arith.addi %mul3A_2, %add3A_76 : i32
    %mul3A_78 = arith.constant 2 : i32
    %mul3A_79 = arith.muli %add3A_77, %mul3A_78 : i32
    %add3A_80 = arith.constant 1 : i32
    %add3A_81 = arith.addi %mul3A_79, %add3A_80 : i32
    %dma_wait3A_82 = arith.constant 0 : i32
    %dma_wait3A_83 = arith.constant 50 : i32
    %dma_wait3A_84 = arith.constant 0 : i32
    %dma_wait3A_85 = tpu.memref_slice %arg6[%dma_wait3A_82, %dma_wait3A_83, %dma_wait3A_84] : memref<4x100x32xf32, #tpu.memory_space<vmem>> -> memref<1x50x32xf32, #tpu.memory_space<vmem>>
    %dma_wait3A_86 = tpu.memref_squeeze %dma_wait3A_85 : memref<1x50x32xf32, #tpu.memory_space<vmem>> -> memref<50x32xf32, #tpu.memory_space<vmem>>
    %dma_wait3A_87 = arith.constant 0 : i32
    %dma_wait3A_88 = arith.constant 0 : i32
    %dma_wait3A_89 = tpu.memref_slice %arg4[%add3A_81, %dma_wait3A_87, %dma_wait3A_88] : memref<16384x50x32xf32, #tpu.memory_space<hbm>> -> memref<1x50x32xf32, #tpu.memory_space<hbm>>
    %dma_wait3A_90 = tpu.memref_squeeze %dma_wait3A_89 : memref<1x50x32xf32, #tpu.memory_space<hbm>> -> memref<50x32xf32, #tpu.memory_space<hbm>>
    %dma_wait3A_91 = arith.constant 0 : i32
    %dma_wait3A_92 = arith.constant 0 : i32
    %dma_wait3A_93 = tpu.memref_slice %arg4[%add3A_81, %dma_wait3A_91, %dma_wait3A_92] : memref<16384x50x32xf32, #tpu.memory_space<hbm>> -> memref<1x50x32xf32, #tpu.memory_space<hbm>>
    %dma_wait3A_94 = tpu.memref_squeeze %dma_wait3A_93 : memref<1x50x32xf32, #tpu.memory_space<hbm>> -> memref<50x32xf32, #tpu.memory_space<hbm>>
    %dma_wait3A_95 = arith.constant 50 : i32
    %dma_wait3A_96 = arith.constant 0 : i32
    %dma_wait3A_97 = tpu.memref_slice %arg6[%dma_wait3A_82, %dma_wait3A_95, %dma_wait3A_96] : memref<4x100x32xf32, #tpu.memory_space<vmem>> -> memref<1x50x32xf32, #tpu.memory_space<vmem>>
    %dma_wait3A_98 = tpu.memref_squeeze %dma_wait3A_97 : memref<1x50x32xf32, #tpu.memory_space<vmem>> -> memref<50x32xf32, #tpu.memory_space<vmem>>
    tpu.wait_dma2 semaphore(%arg11 : memref<!tpu.dma_semaphore, #tpu.memory_space<semaphore_mem>>) src(%dma_wait3A_98 : memref<50x32xf32, #tpu.memory_space<vmem>>) dst(%dma_wait3A_94 : memref<50x32xf32, #tpu.memory_space<hbm>>)
    %add3A_99 = arith.constant 253 : i32
    %add3A_100 = arith.addi %mul3A_2, %add3A_99 : i32
    %mul3A_101 = arith.constant 2 : i32
    %mul3A_102 = arith.muli %add3A_100, %mul3A_101 : i32
    %add3A_103 = arith.constant 0 : i32
    %add3A_104 = arith.addi %mul3A_102, %add3A_103 : i32
    %dma_wait3A_105 = arith.constant 1 : i32
    %dma_wait3A_106 = arith.constant 0 : i32
    %dma_wait3A_107 = arith.constant 0 : i32
    %dma_wait3A_108 = tpu.memref_slice %arg6[%dma_wait3A_105, %dma_wait3A_106, %dma_wait3A_107] : memref<4x100x32xf32, #tpu.memory_space<vmem>> -> memref<1x50x32xf32, #tpu.memory_space<vmem>>
    %dma_wait3A_109 = tpu.memref_squeeze %dma_wait3A_108 : memref<1x50x32xf32, #tpu.memory_space<vmem>> -> memref<50x32xf32, #tpu.memory_space<vmem>>
    %dma_wait3A_110 = arith.constant 0 : i32
    %dma_wait3A_111 = arith.constant 0 : i32
    %dma_wait3A_112 = tpu.memref_slice %arg4[%add3A_104, %dma_wait3A_110, %dma_wait3A_111] : memref<16384x50x32xf32, #tpu.memory_space<hbm>> -> memref<1x50x32xf32, #tpu.memory_space<hbm>>
    %dma_wait3A_113 = tpu.memref_squeeze %dma_wait3A_112 : memref<1x50x32xf32, #tpu.memory_space<hbm>> -> memref<50x32xf32, #tpu.memory_space<hbm>>
    %dma_wait3A_114 = arith.constant 0 : i32
    %dma_wait3A_115 = arith.constant 0 : i32
    %dma_wait3A_116 = tpu.memref_slice %arg4[%add3A_104, %dma_wait3A_114, %dma_wait3A_115] : memref<16384x50x32xf32, #tpu.memory_space<hbm>> -> memref<1x50x32xf32, #tpu.memory_space<hbm>>
    %dma_wait3A_117 = tpu.memref_squeeze %dma_wait3A_116 : memref<1x50x32xf32, #tpu.memory_space<hbm>> -> memref<50x32xf32, #tpu.memory_space<hbm>>
    %dma_wait3A_118 = arith.constant 0 : i32
    %dma_wait3A_119 = arith.constant 0 : i32
    %dma_wait3A_120 = tpu.memref_slice %arg6[%dma_wait3A_105, %dma_wait3A_118, %dma_wait3A_119] : memref<4x100x32xf32, #tpu.memory_space<vmem>> -> memref<1x50x32xf32, #tpu.memory_space<vmem>>
    %dma_wait3A_121 = tpu.memref_squeeze %dma_wait3A_120 : memref<1x50x32xf32, #tpu.memory_space<vmem>> -> memref<50x32xf32, #tpu.memory_space<vmem>>
    tpu.wait_dma2 semaphore(%arg12 : memref<!tpu.dma_semaphore, #tpu.memory_space<semaphore_mem>>) src(%dma_wait3A_121 : memref<50x32xf32, #tpu.memory_space<vmem>>) dst(%dma_wait3A_117 : memref<50x32xf32, #tpu.memory_space<hbm>>)
    %add3A_122 = arith.constant 253 : i32
    %add3A_123 = arith.addi %mul3A_2, %add3A_122 : i32
    %mul3A_124 = arith.constant 2 : i32
    %mul3A_125 = arith.muli %add3A_123, %mul3A_124 : i32
    %add3A_126 = arith.constant 1 : i32
    %add3A_127 = arith.addi %mul3A_125, %add3A_126 : i32
    %dma_wait3A_128 = arith.constant 1 : i32
    %dma_wait3A_129 = arith.constant 50 : i32
    %dma_wait3A_130 = arith.constant 0 : i32
    %dma_wait3A_131 = tpu.memref_slice %arg6[%dma_wait3A_128, %dma_wait3A_129, %dma_wait3A_130] : memref<4x100x32xf32, #tpu.memory_space<vmem>> -> memref<1x50x32xf32, #tpu.memory_space<vmem>>
    %dma_wait3A_132 = tpu.memref_squeeze %dma_wait3A_131 : memref<1x50x32xf32, #tpu.memory_space<vmem>> -> memref<50x32xf32, #tpu.memory_space<vmem>>
    %dma_wait3A_133 = arith.constant 0 : i32
    %dma_wait3A_134 = arith.constant 0 : i32
    %dma_wait3A_135 = tpu.memref_slice %arg4[%add3A_127, %dma_wait3A_133, %dma_wait3A_134] : memref<16384x50x32xf32, #tpu.memory_space<hbm>> -> memref<1x50x32xf32, #tpu.memory_space<hbm>>
    %dma_wait3A_136 = tpu.memref_squeeze %dma_wait3A_135 : memref<1x50x32xf32, #tpu.memory_space<hbm>> -> memref<50x32xf32, #tpu.memory_space<hbm>>
    %dma_wait3A_137 = arith.constant 0 : i32
    %dma_wait3A_138 = arith.constant 0 : i32
    %dma_wait3A_139 = tpu.memref_slice %arg4[%add3A_127, %dma_wait3A_137, %dma_wait3A_138] : memref<16384x50x32xf32, #tpu.memory_space<hbm>> -> memref<1x50x32xf32, #tpu.memory_space<hbm>>
    %dma_wait3A_140 = tpu.memref_squeeze %dma_wait3A_139 : memref<1x50x32xf32, #tpu.memory_space<hbm>> -> memref<50x32xf32, #tpu.memory_space<hbm>>
    %dma_wait3A_141 = arith.constant 50 : i32
    %dma_wait3A_142 = arith.constant 0 : i32
    %dma_wait3A_143 = tpu.memref_slice %arg6[%dma_wait3A_128, %dma_wait3A_141, %dma_wait3A_142] : memref<4x100x32xf32, #tpu.memory_space<vmem>> -> memref<1x50x32xf32, #tpu.memory_space<vmem>>
    %dma_wait3A_144 = tpu.memref_squeeze %dma_wait3A_143 : memref<1x50x32xf32, #tpu.memory_space<vmem>> -> memref<50x32xf32, #tpu.memory_space<vmem>>
    tpu.wait_dma2 semaphore(%arg12 : memref<!tpu.dma_semaphore, #tpu.memory_space<semaphore_mem>>) src(%dma_wait3A_144 : memref<50x32xf32, #tpu.memory_space<vmem>>) dst(%dma_wait3A_140 : memref<50x32xf32, #tpu.memory_space<hbm>>)
    %add3A_145 = arith.constant 254 : i32
    %add3A_146 = arith.addi %mul3A_2, %add3A_145 : i32
    %mul3A_147 = arith.constant 2 : i32
    %mul3A_148 = arith.muli %add3A_146, %mul3A_147 : i32
    %add3A_149 = arith.constant 0 : i32
    %add3A_150 = arith.addi %mul3A_148, %add3A_149 : i32
    %dma_wait3A_151 = arith.constant 2 : i32
    %dma_wait3A_152 = arith.constant 0 : i32
    %dma_wait3A_153 = arith.constant 0 : i32
    %dma_wait3A_154 = tpu.memref_slice %arg6[%dma_wait3A_151, %dma_wait3A_152, %dma_wait3A_153] : memref<4x100x32xf32, #tpu.memory_space<vmem>> -> memref<1x50x32xf32, #tpu.memory_space<vmem>>
    %dma_wait3A_155 = tpu.memref_squeeze %dma_wait3A_154 : memref<1x50x32xf32, #tpu.memory_space<vmem>> -> memref<50x32xf32, #tpu.memory_space<vmem>>
    %dma_wait3A_156 = arith.constant 0 : i32
    %dma_wait3A_157 = arith.constant 0 : i32
    %dma_wait3A_158 = tpu.memref_slice %arg4[%add3A_150, %dma_wait3A_156, %dma_wait3A_157] : memref<16384x50x32xf32, #tpu.memory_space<hbm>> -> memref<1x50x32xf32, #tpu.memory_space<hbm>>
    %dma_wait3A_159 = tpu.memref_squeeze %dma_wait3A_158 : memref<1x50x32xf32, #tpu.memory_space<hbm>> -> memref<50x32xf32, #tpu.memory_space<hbm>>
    %dma_wait3A_160 = arith.constant 0 : i32
    %dma_wait3A_161 = arith.constant 0 : i32
    %dma_wait3A_162 = tpu.memref_slice %arg4[%add3A_150, %dma_wait3A_160, %dma_wait3A_161] : memref<16384x50x32xf32, #tpu.memory_space<hbm>> -> memref<1x50x32xf32, #tpu.memory_space<hbm>>
    %dma_wait3A_163 = tpu.memref_squeeze %dma_wait3A_162 : memref<1x50x32xf32, #tpu.memory_space<hbm>> -> memref<50x32xf32, #tpu.memory_space<hbm>>
    %dma_wait3A_164 = arith.constant 0 : i32
    %dma_wait3A_165 = arith.constant 0 : i32
    %dma_wait3A_166 = tpu.memref_slice %arg6[%dma_wait3A_151, %dma_wait3A_164, %dma_wait3A_165] : memref<4x100x32xf32, #tpu.memory_space<vmem>> -> memref<1x50x32xf32, #tpu.memory_space<vmem>>
    %dma_wait3A_167 = tpu.memref_squeeze %dma_wait3A_166 : memref<1x50x32xf32, #tpu.memory_space<vmem>> -> memref<50x32xf32, #tpu.memory_space<vmem>>
    tpu.wait_dma2 semaphore(%arg13 : memref<!tpu.dma_semaphore, #tpu.memory_space<semaphore_mem>>) src(%dma_wait3A_167 : memref<50x32xf32, #tpu.memory_space<vmem>>) dst(%dma_wait3A_163 : memref<50x32xf32, #tpu.memory_space<hbm>>)
    %add3A_168 = arith.constant 254 : i32
    %add3A_169 = arith.addi %mul3A_2, %add3A_168 : i32
    %mul3A_170 = arith.constant 2 : i32
    %mul3A_171 = arith.muli %add3A_169, %mul3A_170 : i32
    %add3A_172 = arith.constant 1 : i32
    %add3A_173 = arith.addi %mul3A_171, %add3A_172 : i32
    %dma_wait3A_174 = arith.constant 2 : i32
    %dma_wait3A_175 = arith.constant 50 : i32
    %dma_wait3A_176 = arith.constant 0 : i32
    %dma_wait3A_177 = tpu.memref_slice %arg6[%dma_wait3A_174, %dma_wait3A_175, %dma_wait3A_176] : memref<4x100x32xf32, #tpu.memory_space<vmem>> -> memref<1x50x32xf32, #tpu.memory_space<vmem>>
    %dma_wait3A_178 = tpu.memref_squeeze %dma_wait3A_177 : memref<1x50x32xf32, #tpu.memory_space<vmem>> -> memref<50x32xf32, #tpu.memory_space<vmem>>
    %dma_wait3A_179 = arith.constant 0 : i32
    %dma_wait3A_180 = arith.constant 0 : i32
    %dma_wait3A_181 = tpu.memref_slice %arg4[%add3A_173, %dma_wait3A_179, %dma_wait3A_180] : memref<16384x50x32xf32, #tpu.memory_space<hbm>> -> memref<1x50x32xf32, #tpu.memory_space<hbm>>
    %dma_wait3A_182 = tpu.memref_squeeze %dma_wait3A_181 : memref<1x50x32xf32, #tpu.memory_space<hbm>> -> memref<50x32xf32, #tpu.memory_space<hbm>>
    %dma_wait3A_183 = arith.constant 0 : i32
    %dma_wait3A_184 = arith.constant 0 : i32
    %dma_wait3A_185 = tpu.memref_slice %arg4[%add3A_173, %dma_wait3A_183, %dma_wait3A_184] : memref<16384x50x32xf32, #tpu.memory_space<hbm>> -> memref<1x50x32xf32, #tpu.memory_space<hbm>>
    %dma_wait3A_186 = tpu.memref_squeeze %dma_wait3A_185 : memref<1x50x32xf32, #tpu.memory_space<hbm>> -> memref<50x32xf32, #tpu.memory_space<hbm>>
    %dma_wait3A_187 = arith.constant 50 : i32
    %dma_wait3A_188 = arith.constant 0 : i32
    %dma_wait3A_189 = tpu.memref_slice %arg6[%dma_wait3A_174, %dma_wait3A_187, %dma_wait3A_188] : memref<4x100x32xf32, #tpu.memory_space<vmem>> -> memref<1x50x32xf32, #tpu.memory_space<vmem>>
    %dma_wait3A_190 = tpu.memref_squeeze %dma_wait3A_189 : memref<1x50x32xf32, #tpu.memory_space<vmem>> -> memref<50x32xf32, #tpu.memory_space<vmem>>
    tpu.wait_dma2 semaphore(%arg13 : memref<!tpu.dma_semaphore, #tpu.memory_space<semaphore_mem>>) src(%dma_wait3A_190 : memref<50x32xf32, #tpu.memory_space<vmem>>) dst(%dma_wait3A_186 : memref<50x32xf32, #tpu.memory_space<hbm>>)
    %add3A_191 = arith.constant 255 : i32
    %add3A_192 = arith.addi %mul3A_2, %add3A_191 : i32
    %mul3A_193 = arith.constant 2 : i32
    %mul3A_194 = arith.muli %add3A_192, %mul3A_193 : i32
    %add3A_195 = arith.constant 0 : i32
    %add3A_196 = arith.addi %mul3A_194, %add3A_195 : i32
    %dma_wait3A_197 = arith.constant 3 : i32
    %dma_wait3A_198 = arith.constant 0 : i32
    %dma_wait3A_199 = arith.constant 0 : i32
    %dma_wait3A_200 = tpu.memref_slice %arg6[%dma_wait3A_197, %dma_wait3A_198, %dma_wait3A_199] : memref<4x100x32xf32, #tpu.memory_space<vmem>> -> memref<1x50x32xf32, #tpu.memory_space<vmem>>
    %dma_wait3A_201 = tpu.memref_squeeze %dma_wait3A_200 : memref<1x50x32xf32, #tpu.memory_space<vmem>> -> memref<50x32xf32, #tpu.memory_space<vmem>>
    %dma_wait3A_202 = arith.constant 0 : i32
    %dma_wait3A_203 = arith.constant 0 : i32
    %dma_wait3A_204 = tpu.memref_slice %arg4[%add3A_196, %dma_wait3A_202, %dma_wait3A_203] : memref<16384x50x32xf32, #tpu.memory_space<hbm>> -> memref<1x50x32xf32, #tpu.memory_space<hbm>>
    %dma_wait3A_205 = tpu.memref_squeeze %dma_wait3A_204 : memref<1x50x32xf32, #tpu.memory_space<hbm>> -> memref<50x32xf32, #tpu.memory_space<hbm>>
    %dma_wait3A_206 = arith.constant 0 : i32
    %dma_wait3A_207 = arith.constant 0 : i32
    %dma_wait3A_208 = tpu.memref_slice %arg4[%add3A_196, %dma_wait3A_206, %dma_wait3A_207] : memref<16384x50x32xf32, #tpu.memory_space<hbm>> -> memref<1x50x32xf32, #tpu.memory_space<hbm>>
    %dma_wait3A_209 = tpu.memref_squeeze %dma_wait3A_208 : memref<1x50x32xf32, #tpu.memory_space<hbm>> -> memref<50x32xf32, #tpu.memory_space<hbm>>
    %dma_wait3A_210 = arith.constant 0 : i32
    %dma_wait3A_211 = arith.constant 0 : i32
    %dma_wait3A_212 = tpu.memref_slice %arg6[%dma_wait3A_197, %dma_wait3A_210, %dma_wait3A_211] : memref<4x100x32xf32, #tpu.memory_space<vmem>> -> memref<1x50x32xf32, #tpu.memory_space<vmem>>
    %dma_wait3A_213 = tpu.memref_squeeze %dma_wait3A_212 : memref<1x50x32xf32, #tpu.memory_space<vmem>> -> memref<50x32xf32, #tpu.memory_space<vmem>>
    tpu.wait_dma2 semaphore(%arg14 : memref<!tpu.dma_semaphore, #tpu.memory_space<semaphore_mem>>) src(%dma_wait3A_213 : memref<50x32xf32, #tpu.memory_space<vmem>>) dst(%dma_wait3A_209 : memref<50x32xf32, #tpu.memory_space<hbm>>)
    %add3A_214 = arith.constant 255 : i32
    %add3A_215 = arith.addi %mul3A_2, %add3A_214 : i32
    %mul3A_216 = arith.constant 2 : i32
    %mul3A_217 = arith.muli %add3A_215, %mul3A_216 : i32
    %add3A_218 = arith.constant 1 : i32
    %add3A_219 = arith.addi %mul3A_217, %add3A_218 : i32
    %dma_wait3A_220 = arith.constant 3 : i32
    %dma_wait3A_221 = arith.constant 50 : i32
    %dma_wait3A_222 = arith.constant 0 : i32
    %dma_wait3A_223 = tpu.memref_slice %arg6[%dma_wait3A_220, %dma_wait3A_221, %dma_wait3A_222] : memref<4x100x32xf32, #tpu.memory_space<vmem>> -> memref<1x50x32xf32, #tpu.memory_space<vmem>>
    %dma_wait3A_224 = tpu.memref_squeeze %dma_wait3A_223 : memref<1x50x32xf32, #tpu.memory_space<vmem>> -> memref<50x32xf32, #tpu.memory_space<vmem>>
    %dma_wait3A_225 = arith.constant 0 : i32
    %dma_wait3A_226 = arith.constant 0 : i32
    %dma_wait3A_227 = tpu.memref_slice %arg4[%add3A_219, %dma_wait3A_225, %dma_wait3A_226] : memref<16384x50x32xf32, #tpu.memory_space<hbm>> -> memref<1x50x32xf32, #tpu.memory_space<hbm>>
    %dma_wait3A_228 = tpu.memref_squeeze %dma_wait3A_227 : memref<1x50x32xf32, #tpu.memory_space<hbm>> -> memref<50x32xf32, #tpu.memory_space<hbm>>
    %dma_wait3A_229 = arith.constant 0 : i32
    %dma_wait3A_230 = arith.constant 0 : i32
    %dma_wait3A_231 = tpu.memref_slice %arg4[%add3A_219, %dma_wait3A_229, %dma_wait3A_230] : memref<16384x50x32xf32, #tpu.memory_space<hbm>> -> memref<1x50x32xf32, #tpu.memory_space<hbm>>
    %dma_wait3A_232 = tpu.memref_squeeze %dma_wait3A_231 : memref<1x50x32xf32, #tpu.memory_space<hbm>> -> memref<50x32xf32, #tpu.memory_space<hbm>>
    %dma_wait3A_233 = arith.constant 50 : i32
    %dma_wait3A_234 = arith.constant 0 : i32
    %dma_wait3A_235 = tpu.memref_slice %arg6[%dma_wait3A_220, %dma_wait3A_233, %dma_wait3A_234] : memref<4x100x32xf32, #tpu.memory_space<vmem>> -> memref<1x50x32xf32, #tpu.memory_space<vmem>>
    %dma_wait3A_236 = tpu.memref_squeeze %dma_wait3A_235 : memref<1x50x32xf32, #tpu.memory_space<vmem>> -> memref<50x32xf32, #tpu.memory_space<vmem>>
    tpu.wait_dma2 semaphore(%arg14 : memref<!tpu.dma_semaphore, #tpu.memory_space<semaphore_mem>>) src(%dma_wait3A_236 : memref<50x32xf32, #tpu.memory_space<vmem>>) dst(%dma_wait3A_232 : memref<50x32xf32, #tpu.memory_space<hbm>>)
    return
  }
}

</mosaic_0001>

<sc_bundles>
// kernel: kernel.3.cloned.1.call-start
scs
__scs_entry_jumppad:
0x0: {  	(pc) =	sbr.rel $0x88, $3  }
0x1: {  	(tag) =	ssettag $0x0;
	lr =	simm.s32 $0x1  }
0x2: {  	[smem:$0x3F9F] =	sst lr;
	_ =	strace $0xD0000000  }
0x3: {  	_ = 	snop  }
0x4: {  	_ = 	snop  }
0x5: {  	_ = 	snop  }
0x6: {  	_ = 	snop  }
0x7: {  	_ = 	snop  }
__scs_overlays_trampoline_lowered:
0x8: {  	[smem:$0x3FAE] =	sst s0  }
0x9: {  	[smem:$0x3FAF] =	sst s1  }
0xa: {  	[smem:$0x3FB0] =	sst s2  }
0xb: {  	[smem:$0x3FB1] =	sst s3  }
0xc: {  	[smem:$0x3FB2] =	sst s4  }
0xd: {  	[smem:$0x3FB3] =	sst s5  }
0xe: {  	[smem:$0x3FB4] =	sst s6  }
0xf: {  	[smem:$0x3FB5] =	sst s7  }
0x10: {  	[smem:$0x3FB6] =	sst s8  }
0x11: {  	[smem:$0x3FB7] =	sst s9;
	s0 =	simm.s32 @!p0 $0x0  }
0x12: {  	s1 =	sld [smem:$0x3F9D];
	s0 =	simm.s32 @p0 $0x1  }
0x13: {  	[smem:$0x3FB8] =	sst s0;
	s0 =	simm.s32 @!p1 $0x0  }
0x14: {  	s2 =	sld [smem:$0x3F9C];
	s0 =	simm.s32 @p1 $0x1  }
0x15: {  	[smem:$0x3FB9] =	sst s0;
	s0 =	simm.s32 @!p2 $0x0  }
0x16: {  	s3 =	sld [smem:$0x3FDB];
	s0 =	simm.s32 @p2 $0x1  }
0x17: {  	s4 =	simm.s32 $0x1BF5;
	[smem:$0x3FBB] =	sst s0  }
0x18: {  	s0 =	sld [smem:$0x3F9E];
	_ =	swait.ge [sflag:s4], $0x0  }
0x19: {  	s7 =	sld [smem:$0x3F9F]  }
0x1a: {  	s8 =	sadd.s32 $0xFFFFE003, lr  }
0x1b: {  	s9 =	sadd.s32 $0xFFFFFEF7, lr;
	s5 =	simm.s32 $0xFFFFFFFF;
	p2 =	slt.u32 s8, $0xFFFFF086  }
0x1c: {  	p1 =	slt.u32 s9, $0xF7A;
	s5 =	simm.s32 @!p2 $0x0  }
0x1d: {  	s5 =	simm.s32 @p1 $0x1;
	p0 =	seq.s32 s7, s2  }
0x1e: {  	s7 =	smul.u32 @!p0 $0xF7A, s2;
	p2 =	seq.s32 @!p0 s5, $0x0  }
0x1f: {  	s9 =	smul.u32 $0xF7A, s1;
	s8 =	simm.s32 @!p0 $0x1BF5;
	p2 =	por !p2, p0  }
0x20: {  	[sflag:s8] =	ssyncset.s32 @!p0 $0xFFFFF086;
	s6 =	sadd.s32 @!p0 s3, s7;
	s7 =	simm.s32 @!p0 $0x108  }
0x21: {  	s3 =	sadd.s32 s3, s9;
	s6 =	sadd.s32 @!p0 $0x88, s6;
	s7 =	simm.s32 @p2 $0x1082  }
0x22: {  	[simem:s7], [sflag:s8] =	dma.local @!p0 [hbm:s6], $0xF7A  }
0x23: {  	s9 =	sor.u32 $0xD0000000, s2;
	s6 =	simm.s32 $0x108;
	_ =	swait.ge @!p0 [sflag:s8], $0x0  }
0x24: {  	s3 =	sadd.s32 $0x88, s3;
	s6 =	simm.s32 @!p1 $0x1082;
	[sflag:s4] =	ssyncset.s32 $0xFFFFF086  }
0x25: {  	[simem:s6], [sflag:s4] =	dma.local [hbm:s3], $0xF7A  }
0x26: {  	[smem:$0x3F9F] =	sst s1;
	(tag) =	ssettag s2;
	_ =	strace s9  }
0x27: {  	s1 =	sld [smem:$0x3FAF]  }
0x28: {  	s2 =	sld [smem:$0x3FB0]  }
0x29: {  	s4 =	sld [smem:$0x3FB2]  }
0x2a: {  	p0 =	seq.s32 s5, $0x0;
	s5 =	sld [smem:$0x3FB3]  }
0x2b: {  	s6 =	sld [smem:$0x3FB4]  }
0x2c: {  	s7 =	sld [smem:$0x3FB5]  }
0x2d: {  	s3 =	simm.s32 $0x108;
	s8 =	sld [smem:$0x3FB6]  }
0x2e: {  	s3 =	simm.s32 @!p0 $0x1082;
	s9 =	sld [smem:$0x3FB7]  }
0x2f: {  	lr =	sadd.s32 s0, s3;
	s0 =	sld [smem:$0x3FAE]  }
0x30: {  	s3 =	sld [smem:$0x3FB1]  }
0x31: {  	[smem:$0x3FBA] =	sst s10  }
0x32: {  	s10 =	sld [smem:$0x3FB8];
	_ =	sdelay $0x3  }
0x33: {  	p0 =	seq.s32 s10, $0x1;
	s10 =	sld [smem:$0x3FBA];
	_ =	sdelay $0x3  }
0x34: {  	[smem:$0x3FBA] =	sst s10  }
0x35: {  	s10 =	sld [smem:$0x3FB9];
	_ =	sdelay $0x3  }
0x36: {  	p1 =	seq.s32 s10, $0x1;
	s10 =	sld [smem:$0x3FBA];
	_ =	sdelay $0x3  }
0x37: {  	[smem:$0x3FBA] =	sst s10  }
0x38: {  	s10 =	sld [smem:$0x3FBB]  }
0x39: {  	_ = 	snop;
	(pc) =	sbr.ind lr, $3  }
0x3a: {  	_ = 	snop  }
0x3b: {  	_ = 	snop  }
0x3c: {  	p2 =	seq.s32 s10, $0x1;
	s10 =	sld [smem:$0x3FBA]  }
0x3d: {  	_ =	shalt  }
0x3e: {  	_ =	shalt  }
0x3f: {  	_ =	shalt  }
0x40: {  	_ =	shalt  }
0x41: {  	_ =	shalt  }
0x42: {  	_ =	shalt  }
0x43: {  	_ =	shalt  }
0x44: {  	_ =	shalt  }
0x45: {  	_ =	shalt  }
0x46: {  	_ =	shalt  }
0x47: {  	_ =	shalt  }
0x48: {  	_ =	shalt  }
0x49: {  	_ =	shalt  }
0x4a: {  	_ =	shalt  }
0x4b: {  	_ =	shalt  }
0x4c: {  	_ =	shalt  }
0x4d: {  	_ =	shalt  }
0x4e: {  	_ =	shalt  }
0x4f: {  	_ =	shalt  }
0x50: {  	_ =	shalt  }
0x51: {  	_ =	shalt  }
0x52: {  	_ =	shalt  }
0x53: {  	_ =	shalt  }
0x54: {  	_ =	shalt  }
0x55: {  	_ =	shalt  }
0x56: {  	_ =	shalt  }
0x57: {  	_ =	shalt  }
0x58: {  	_ =	shalt  }
0x59: {  	_ =	shalt  }
0x5a: {  	_ =	shalt  }
0x5b: {  	_ =	shalt  }
0x5c: {  	_ =	shalt  }
0x5d: {  	_ =	shalt  }
0x5e: {  	_ =	shalt  }
0x5f: {  	_ =	shalt  }
0x60: {  	_ =	shalt  }
0x61: {  	_ =	shalt  }
0x62: {  	_ =	shalt  }
0x63: {  	_ =	shalt  }
0x64: {  	_ =	shalt  }
0x65: {  	_ =	shalt  }
0x66: {  	_ =	shalt  }
0x67: {  	_ =	shalt  }
0x68: {  	_ =	shalt  }
0x69: {  	_ =	shalt  }
0x6a: {  	_ =	shalt  }
0x6b: {  	_ =	shalt  }
0x6c: {  	_ =	shalt  }
0x6d: {  	_ =	shalt  }
0x6e: {  	_ =	shalt  }
0x6f: {  	_ =	shalt  }
0x70: {  	_ =	shalt  }
0x71: {  	_ =	shalt  }
0x72: {  	_ =	shalt  }
0x73: {  	_ =	shalt  }
0x74: {  	_ =	shalt  }
0x75: {  	_ =	shalt  }
0x76: {  	_ =	shalt  }
0x77: {  	_ =	shalt  }
0x78: {  	_ =	shalt  }
0x79: {  	_ =	shalt  }
0x7a: {  	_ =	shalt  }
0x7b: {  	_ =	shalt  }
0x7c: {  	_ =	shalt  }
0x7d: {  	_ =	shalt  }
0x7e: {  	_ =	shalt  }
0x7f: {  	_ =	shalt  }
0x80: {  	_ =	shalt  }
0x81: {  	_ =	shalt  }
0x82: {  	_ =	shalt  }
0x83: {  	_ =	shalt  }
0x84: {  	_ =	shalt  }
0x85: {  	_ =	shalt  }
0x86: {  	_ =	shalt  }
0x87: {  	_ =	shalt  }
.Lfunc_end0:
.L_simem_size_0:
called_computation.1_lowered:
.L_overlay_start_0:
0x88: {  	s2 =	sld [smem:$0x3FD9]  }
0x89: {  	s3 =	sld [smem:$0x3FFE];
	_ =	sdelay $0x1  }
0x8a: {  	s1 =	srdreg.scid  }
0x8b: {  	s0 =	sand.u32 $0x1, s1  }
0x8c: {  	s17 =	sshll.u32 s0, $0xA;
	s2 =	sadd.s32 s3, s2  }
0x8d: {  	s2 =	sadd.s32 s2, s17  }
0x8e: {  	[smem:$0x3FC6] =	sst s2  }
0x8f: {  	_ = 	snop  }
0x90: {  	s2 =	sld [smem:$0x3FD0];
	(tm) =	ssettm $0x1  }
0x91: {  	s18 =	sld [smem:$0x3FFB];
	_ =	sdelay $0x3  }
0x92: {  	_ =	strace s18  }
0x93: {  	s3 =	sld [smem:$0x3FFC];
	_ =	sdelay $0x3  }
0x94: {  	_ =	strace s3  }
0x95: {  	s3 =	sld [smem:$0x3FFD];
	_ =	sdelay $0x3  }
0x96: {  	_ =	strace s3  }
0x97: {  	_ =	strace $0x8FFFFFFF  }
0x98: {  	s19 =	sld [smem:$0x3FDB];
	_ =	sdelay $0x1  }
0x99: {  	s4 =	simm.s32 $_scs_section_size  }
0x9a: {  	s5 =	simm.s32 $_size__tile_overlayer_lowered;
	s6 =	simm.s32 $_tile_overlayer_lowered  }
0x9b: {  	s22 =	simm.s32 $0x1BFF;
	s21 =	sshll.u32 s6, $0x1;
	s3 =	sadd.s32 s4, s19  }
0x9c: {  	s7 =	simm.s32 $0x0;
	s20 =	sshll.u32 s5, $0x1;
	s5 =	sadd.s32 s21, s3  }
0x9d: {  	[timem:s7], [sflag:s22] =	dma.local [hbm:s5], s20  }
0x9e: {  	_ =	swait.ge [sflag:s22], s20  }
0x9f: {  	s4 =	ssub.s32 $0x0, s20;
	[sflag:s22] =	ssyncset.done $0x0  }
0xa0: {  	[sflag:s22] =	ssyncadd.s32 s4;
	_ =	sdelay $0x1  }
0xa1: {  	s23 =	simm.s32 $0x1B8B  }
0xa2: {  	_ =	swait.ge [sflag:s23], $0x1  }
0xa3: {  	[sflag:s23] =	ssyncset.done $0x0  }
0xa4: {  	s25 =	simm.s32 $0x1B8E;
	s24 =	sld [smem:$0x3FFE];
	[sflag:s23] =	ssyncadd.s32 $0xFFFFFFFF  }
0xa5: {  	s26 =	simm.s32 $execute0_lowered;
	[smem:$0x3FD2] =	sst s25  }
0xa6: {  	s5 =	sshll.u32 s26, $0x1;
	_ =	strace $0x80000046;
	[dreg:$0x1] =	wrdreg $0xFFFFFFFF  }
0xa7: {  	s28 =	simm.s32 $_size_execute0_lowered;
	s3 =	sadd.s32 s3, s5;
	[dreg:$0x0] =	wrdreg $0x0  }
0xa8: {  	s5 =	sshll.u32 s28, $0x1;
	[dreg:$0x2] =	wrdreg s3  }
0xa9: {  	[dreg:$0x3] =	wrdreg s5  }
0xaa: {  	[dreg:$0x4] =	wrdreg $0xC0  }
0xab: {  	_ =	task [dreg:s7], $0x5FFFF  }
0xac: {  	[dreg:$0x1] =	wrdreg $0xFFFFFFFF  }
0xad: {  	[dreg:$0x0] =	wrdreg $0x60  }
0xae: {  	[dreg:$0x2] =	wrdreg s24  }
0xaf: {  	[dreg:$0x3] =	wrdreg s2  }
0xb0: {  	[dreg:$0x4] =	wrdreg $0x9  }
0xb1: {  	_ =	task.clear_ibuf [dreg:s7], $0x5FFFF;
	_ =	strace $0x90000046  }
0xb2: {  	s29 =	simm.s32 $0x9;
	_ =	strace $0x80000048  }
0xb3: {  	_ =	swait.ge [sflag:s29], $0x1  }
0xb4: {  	[sflag:s29] =	ssyncadd.s32 $0xFFFFFFFF  }
0xb5: {  	_ =	strace $0x90000048  }
0xb6: {  	_ =	sfence  }
0xb7: {  	s30 =	sld [smem:$0x0];
	_ =	sdelay $0x2  }
0xb8: {  	s31 =	sshll.u32 s1, $0xD;
	s1 =	sshrl.u32 s1, $0x2  }
0xb9: {  	s3 =	sand.u32 $0x4000, s31;
	s1 =	sadd.s32 s1, s30  }
0xba: {  	s0 =	sor.u32 s3, s0;
	s1 =	sshll.u32 s1, $0x11  }
0xbb: {  	s0 =	sor.u32 s1, s0  }
0xbc: {  	s0 =	sadd.s32 $0x8F2B, s0  }
0xbd: {  	[sflag:s0] =	ssyncadd.remote.s32 $0x1  }
0xbe: {  	_ =	sfence.sel $0xFFFF  }
0xbf: {  	[dreg:$0x0] =	wrdreg $0xFFFFFFFF;
	(pc) =	sbr.abs _section_cstart, $3  }
0xc0: {  	[dreg:$0x1] =	wrdreg $0xFFFFFFFF  }
0xc1: {  	_ =	task.clear_ibuf [dreg:s7], $0x2FFFF;
	_ =	strace $0x9FFFFFFF  }
0xc2: {  	(tm) =	ssettm $0x7FFFFFFF  }
0xc3: {  	_ =	shalt  }
tec
execute0_lowered:
.L_overlay_start_1:
0x0: {  	(tag) =	ssettag $0x1  }
0x1: {  	s0 =	srdreg.scid;
	s1 =	rddreg [dreg:$0x0]  }
0x2: {  	s9 =	stileid.u32;
	s10 =	rddreg [dreg:$0x1];
	s11 =	simm.s32 $0x9  }
0x3: {  	s12 =	simm.s32 $0x64;
	s13 =	simm.s32 $0x6800;
	s15 =	simm.s32 $0x7480  }
0x4: {  	s17 =	simm.s32 $0x8100;
	s28 =	simm.s32 $0x93C0;
	s29 =	simm.s32 $0x5  }
0x5: {  	s30 =	simm.s32 $0x6;
	s31 =	simm.s32 $0x7;
	s5 =	smul.u32 $0x190000, s9  }
0x6: {  	s0 =	sand.u32 $0x1, s0;
	s2 =	sshll.u32 s9, $0x9;
	s20 =	smul.u32 $0x32000, s9  }
0x7: {  	s3 =	sshll.u32 s0, $0x8;
	s6 =	ssub.s32 $0x2, s0;
	s7 =	smul.u32 $0xC8000, s0  }
0x8: {  	s0 =	smul.u32 $0x19000, s0;
	s3 =	sor.u32 s3, s2;
	s2 =	simm.s32 $0x0  }
0x9: {  	s19 =	sshrl.u32 s6, $0x1;
	s4 =	smul.u32 $0xD, s3;
	[smem:$0x7FF] =	sst s2  }
0xa: {  	s3 =	sadd.s32 $0xF42E00, s1;
	s6 =	ssub.s32 s6, s19;
	s8 =	sadd.s32 s7, s5  }
0xb: {  	s7 =	sadd.s32 s20, s10;
	s19 =	simm.s32 $0x8D80;
	s20 =	simm.s32 $0x1  }
0xc: {  	_ =	strace $0x80000047;
	s21 =	sor.u32 $0x2BC0, s8;
	s5 =	smax.u32 s6, $0x1  }
0xd: {  	s7 =	sadd.s32 s0, s7;
	s22 =	sor.u32 $0x1F40, s8;
	s23 =	sor.u32 $0x12C0, s8  }
0xe: {  	s24 =	sor.u32 $0x640, s8;
	s1 =	sadd.s32 s4, s1;
	s0 =	sshrl.u32 s22, $0x3  }
0xf: {  	s25 =	sshrl.u32 s23, $0x3;
	s26 =	sshrl.u32 s24, $0x3;
	s22 =	simm.s32 $0x2  }
.Ltmp0:
0x10: {  	s23 =	simm.s32 $0x7AC0;
	s24 =	simm.s32 $0x3;
	(pc) =	sbr.rel .LBB2_1-.Ltmp0, $4  }
0x11: {  	s1 =	sadd.s32 $0xA00, s1;
	s8 =	sadd.s32 s0, s10;
	s9 =	sadd.s32 s25, s10  }
0x12: {  	s25 =	simm.s32 $0x8740;
	[dreg:$0x3] =	wrdreg s1;
	s1 =	sshrl.u32 s21, $0x3  }
0x13: {  	s0 =	simm.s32 $0x0;
	s21 =	simm.s32 $0x6E40;
	s6 =	sadd.s32 s1, s10  }
0x14: {  	s10 =	sadd.s32 s26, s10;
	s26 =	simm.s32 $0x4;
	s1 =	simm.s32 $0x8  }
.LBB2_4:
0x15: {  	_ =	swait.ge [sflag:s30], $0x640  }
0x16: {  	[sflag:s30] =	ssyncset.done $0x0  }
0x17: {  	[sflag:s30] =	ssyncadd.s32 $0xFFFFF9C0  }
0x18: {  	_ =	swait.ge [sflag:s30], $0x640  }
0x19: {  	[sflag:s30] =	ssyncset.done $0x0  }
0x1a: {  	[sflag:s30] =	ssyncadd.s32 $0xFFFFF9C0  }
0x1b: {  	_ =	swait.ge [sflag:s31], $0x640  }
0x1c: {  	[sflag:s31] =	ssyncset.done $0x0  }
0x1d: {  	[sflag:s31] =	ssyncadd.s32 $0xFFFFF9C0  }
0x1e: {  	_ =	swait.ge [sflag:s31], $0x640  }
0x1f: {  	[sflag:s31] =	ssyncset.done $0x0  }
0x20: {  	s0 =	sadd.s32 $0x1, s0;
	[sflag:s31] =	ssyncadd.s32 $0xFFFFF9C0  }
0x21: {  	p0 =	sne.s32 s0, s5;
	_ =	swait.ge [sflag:s1], $0x640  }
.Ltmp1:
0x22: {  	[sflag:s1] =	ssyncset.done $0x0;
	(pc) =	sbr.rel @!p0 .LBB2_5-.Ltmp1, $4  }
0x23: {  	[sflag:s1] =	ssyncadd.s32 $0xFFFFF9C0  }
0x24: {  	_ =	swait.ge [sflag:s1], $0x640  }
0x25: {  	[sflag:s1] =	ssyncset.done $0x0  }
0x26: {  	[sflag:s1] =	ssyncadd.s32 $0xFFFFF9C0  }
.LBB2_1:
0x27: {  	s4 =	rddreg [dreg:$0x3]  }
0x28: {  	[tilespmem:s2], [sflag:$0x9] =	stream.linear.gather [hbm4b:s4+s2], $0x6800, $0x38;
	[tilespmem:$0x9A00] =	vst v63  }
0x29: {  	_ =	swait.ge [sflag:s11], $0x6800  }
0x2a: {  	[sflag:s11] =	ssyncset.done $0x0  }
0x2b: {  	[sflag:s11] =	ssyncadd.s32 $0xFFFF9800  }
0x2c: {  	[tilespmem:s13], [sflag:$0x1] =	stream.indirect.gather [hbm4b:s3+s12], $0x20, s2, s12, $0xb8;
	[tilespmem:$0x9A00] =	vst v63  }
0x2d: {  	s14 =	simm.s32 $0x68  }
0x2e: {  	[tilespmem:s15], [sflag:$0x2] =	stream.indirect.gather [hbm4b:s3+s12], $0x20, s14, s12, $0xb8;
	[tilespmem:$0x9A00] =	vst v63  }
0x2f: {  	s16 =	simm.s32 $0xD0  }
0x30: {  	[tilespmem:s17], [sflag:$0x3] =	stream.indirect.gather [hbm4b:s3+s12], $0x20, s16, s12, $0xb8;
	[tilespmem:$0x9A00] =	vst v63  }
0x31: {  	s18 =	simm.s32 $0x138;
	s14 =	simm.s32 $0x2D8;
	s16 =	simm.s32 $0x0  }
0x32: {  	[tilespmem:s19], [sflag:$0x4] =	stream.indirect.gather [hbm4b:s3+s12], $0x20, s18, s12, $0xb8;
	[tilespmem:$0x9A00] =	vst v63  }
.LBB2_2:
0x33: {  	_ =	swait.ge [sflag:s20], $0xC80  }
0x34: {  	[sflag:s20] =	ssyncset.done $0x0  }
0x35: {  	s18 =	sadd.s32 s16, s7;
	[sflag:s20] =	ssyncadd.s32 $0xFFFFF380  }
0x36: {  	[hbm4b:s18+s2] =	stream.linear.scatter [tilespmem:s13], [sflag:$0x5], $0x640, $0x38;
	[tilespmem:$0x9A00] =	vst v63  }
0x37: {  	s4 =	sadd.s32 s16, s10  }
0x38: {  	[hbm4b:s4+s2] =	stream.linear.scatter [tilespmem:s21], [sflag:$0x5], $0x640, $0x38;
	[tilespmem:$0x9A00] =	vst v63  }
0x39: {  	_ =	swait.ge [sflag:s22], $0xC80  }
0x3a: {  	[sflag:s22] =	ssyncset.done $0x0  }
0x3b: {  	s4 =	sadd.s32 $0x190, s18;
	[sflag:s22] =	ssyncadd.s32 $0xFFFFF380  }
0x3c: {  	[hbm4b:s4+s2] =	stream.linear.scatter [tilespmem:s15], [sflag:$0x6], $0x640, $0x38;
	[tilespmem:$0x9A00] =	vst v63  }
0x3d: {  	s4 =	sadd.s32 s16, s9  }
0x3e: {  	[hbm4b:s4+s2] =	stream.linear.scatter [tilespmem:s23], [sflag:$0x6], $0x640, $0x38;
	[tilespmem:$0x9A00] =	vst v63  }
0x3f: {  	_ =	swait.ge [sflag:s24], $0xC80  }
0x40: {  	[sflag:s24] =	ssyncset.done $0x0  }
0x41: {  	s4 =	sadd.s32 $0x320, s18;
	[sflag:s24] =	ssyncadd.s32 $0xFFFFF380  }
0x42: {  	[hbm4b:s4+s2] =	stream.linear.scatter [tilespmem:s17], [sflag:$0x7], $0x640, $0x38;
	[tilespmem:$0x9A00] =	vst v63  }
0x43: {  	s4 =	sadd.s32 s16, s8  }
0x44: {  	[hbm4b:s4+s2] =	stream.linear.scatter [tilespmem:s25], [sflag:$0x7], $0x640, $0x38;
	[tilespmem:$0x9A00] =	vst v63  }
0x45: {  	_ =	swait.ge [sflag:s26], $0xC80  }
0x46: {  	[sflag:s26] =	ssyncset.done $0x0  }
0x47: {  	s18 =	sadd.s32 $0x4B0, s18;
	[sflag:s26] =	ssyncadd.s32 $0xFFFFF380  }
0x48: {  	[hbm4b:s18+s2] =	stream.linear.scatter [tilespmem:s19], [sflag:$0x8], $0x640, $0x38;
	[tilespmem:$0x9A00] =	vst v63  }
0x49: {  	s18 =	sadd.s32 s16, s6  }
0x4a: {  	[hbm4b:s18+s2] =	stream.linear.scatter [tilespmem:s28], [sflag:$0x8], $0x640, $0x38;
	[tilespmem:$0x9A00] =	vst v63  }
0x4b: {  	p0 =	seq.s32 s16, $0x189C0;
	_ =	swait.ge [sflag:s29], $0x640  }
.Ltmp2:
0x4c: {  	[sflag:s29] =	ssyncset.done $0x0;
	(pc) =	sbr.rel @p0 .LBB2_4-.Ltmp2, $4  }
0x4d: {  	[sflag:s29] =	ssyncadd.s32 $0xFFFFF9C0  }
0x4e: {  	_ =	swait.ge [sflag:s29], $0x640  }
0x4f: {  	[sflag:s29] =	ssyncset.done $0x0  }
0x50: {  	[sflag:s29] =	ssyncadd.s32 $0xFFFFF9C0  }
0x51: {  	s4 =	sadd.s32 $0xFFFFFEC8, s14  }
0x52: {  	[tilespmem:s13], [sflag:$0x1] =	stream.indirect.gather [hbm4b:s3+s12], $0x20, s4, s12, $0xb8;
	[tilespmem:$0x9A00] =	vst v63  }
0x53: {  	_ =	swait.ge [sflag:s30], $0x640  }
0x54: {  	[sflag:s30] =	ssyncset.done $0x0  }
0x55: {  	[sflag:s30] =	ssyncadd.s32 $0xFFFFF9C0  }
0x56: {  	_ =	swait.ge [sflag:s30], $0x640  }
0x57: {  	[sflag:s30] =	ssyncset.done $0x0  }
0x58: {  	s18 =	sadd.s32 $0xFFFFFF30, s14;
	[sflag:s30] =	ssyncadd.s32 $0xFFFFF9C0  }
0x59: {  	[tilespmem:s15], [sflag:$0x2] =	stream.indirect.gather [hbm4b:s3+s12], $0x20, s18, s12, $0xb8;
	[tilespmem:$0x9A00] =	vst v63  }
0x5a: {  	_ =	swait.ge [sflag:s31], $0x640  }
0x5b: {  	[sflag:s31] =	ssyncset.done $0x0  }
0x5c: {  	[sflag:s31] =	ssyncadd.s32 $0xFFFFF9C0  }
0x5d: {  	_ =	swait.ge [sflag:s31], $0x640  }
0x5e: {  	[sflag:s31] =	ssyncset.done $0x0  }
0x5f: {  	s18 =	sadd.s32 $0xFFFFFF98, s14;
	[sflag:s31] =	ssyncadd.s32 $0xFFFFF9C0  }
0x60: {  	[tilespmem:s17], [sflag:$0x3] =	stream.indirect.gather [hbm4b:s3+s12], $0x20, s18, s12, $0xb8;
	[tilespmem:$0x9A00] =	vst v63  }
0x61: {  	_ =	swait.ge [sflag:s1], $0x640  }
0x62: {  	[sflag:s1] =	ssyncset.done $0x0  }
0x63: {  	[sflag:s1] =	ssyncadd.s32 $0xFFFFF9C0  }
.Ltmp3:
0x64: {  	_ =	swait.ge [sflag:s1], $0x640;
	(pc) =	sbr.rel .LBB2_2-.Ltmp3, $4  }
0x65: {  	[sflag:s1] =	ssyncset.done $0x0  }
0x66: {  	[sflag:s1] =	ssyncadd.s32 $0xFFFFF9C0  }
0x67: {  	[tilespmem:s19], [sflag:$0x4] =	stream.indirect.gather [hbm4b:s3+s12], $0x20, s14, s12, $0xb8;
	[tilespmem:$0x9A00] =	vst v63  }
0x68: {  	s16 =	sadd.s32 $0x640, s16;
	s14 =	sadd.s32 $0x1A0, s14  }
.LBB2_5:
0x69: {  	_ =	sfence.sel $0x180000  }
0x6a: {  	[bflag:$0x0] =	sbarrier.arrive $0xFFFF  }
0x6b: {  	_ =	strace $0x90000047  }
0x6c: {  	s0 =	stileid.u32;
	[bflag:$0x2] =	sbarrier.arrive $0xFFFF  }
0x6d: {  	p0 =	sne.s32 s0, $0x0;
	s0 =	rddreg [dreg:$0x2]  }
0x6e: {  	s0 =	sadd.s32 @!p0 $0x100000, s0  }
0x6f: {  	[sflag:s0] =	ssyncadd.tile.s32 @!p0 $0x1;
	_ =	shalt  }
.Lfunc_end2:
_tile_overlayer_lowered:
.L_overlay_start_2:
0x70: {  	(tag) =	ssettag $0x2  }
0x71: {  	s0 =	rddreg [dreg:$0x0];
	s2 =	stileid.u32  }
0x72: {  	s1 =	rddreg [dreg:$0x1];
	p0 =	sne.s32 s2, $0x0  }
0x73: {  	s3 =	rddreg [dreg:$0x2];
	[bflag:$0x3] =	sbarrier.arrive $0xFFFF;
	s2 =	simm.s32 @!p0 $0x1C09  }
0x74: {  	[timem:s3], [sflag:s2] =	dma.local @!p0 [hbm:s0], s1  }
0x75: {  	s0 =	simm.s32 @!p0 $0x9  }
0x76: {  	_ =	swait.ge @!p0 [sflag:s0], s1  }
0x77: {  	s1 =	ssub.s32 @!p0 $0x0, s1;
	[sflag:s0] =	ssyncset.done @!p0 $0x0  }
0x78: {  	[sflag:s0] =	ssyncadd.s32 @!p0 s1  }
0x79: {  	[bflag:$0x3] =	sbarrier.arrive $0xFFFF  }
0x7a: {  	_ =	shalt  }

// kernel: sparse-core-data-format-call.cloned.1.call-start
scs
called_computation_lowered:
.L_overlay_start_0:
0x0: {  	s2 =	sld [smem:$0x3FD9]  }
0x1: {  	s3 =	sld [smem:$0x3FFE];
	_ =	sdelay $0x1  }
0x2: {  	s1 =	srdreg.scid  }
0x3: {  	s0 =	sand.u32 $0x1, s1  }
0x4: {  	s18 =	sshll.u32 s0, $0xA;
	s2 =	sadd.s32 s3, s2  }
0x5: {  	s2 =	sadd.s32 s2, s18  }
0x6: {  	[smem:$0x3FC6] =	sst s2  }
0x7: {  	_ = 	snop  }
0x8: {  	s2 =	sld [smem:$0x3FD0];
	(tm) =	ssettm $0x1  }
0x9: {  	s19 =	sld [smem:$0x3FFB];
	_ =	sdelay $0x3  }
0xa: {  	_ =	strace s19  }
0xb: {  	s3 =	sld [smem:$0x3FFC];
	_ =	sdelay $0x3  }
0xc: {  	_ =	strace s3  }
0xd: {  	s3 =	sld [smem:$0x3FFD];
	_ =	sdelay $0x3  }
0xe: {  	_ =	strace s3  }
0xf: {  	_ =	strace $0x8FFFFFFF  }
0x10: {  	s20 =	sld [smem:$0x3FDB];
	_ =	sdelay $0x1  }
0x11: {  	s4 =	simm.s32 $_scs_section_size  }
0x12: {  	s5 =	simm.s32 $_size__tile_overlayer_lowered;
	s6 =	simm.s32 $_tile_overlayer_lowered  }
0x13: {  	s23 =	simm.s32 $0x1BFF;
	s22 =	sshll.u32 s6, $0x1;
	s3 =	sadd.s32 s4, s20  }
0x14: {  	s7 =	simm.s32 $0x0;
	s21 =	sshll.u32 s5, $0x1;
	s5 =	sadd.s32 s22, s3  }
0x15: {  	[timem:s7], [sflag:s23] =	dma.local [hbm:s5], s21  }
0x16: {  	_ =	swait.ge [sflag:s23], s21  }
0x17: {  	s4 =	ssub.s32 $0x0, s21;
	[sflag:s23] =	ssyncset.done $0x0  }
0x18: {  	[sflag:s23] =	ssyncadd.s32 s4;
	_ =	sdelay $0x1  }
0x19: {  	s24 =	simm.s32 $0x1B8B  }
0x1a: {  	_ =	swait.ge [sflag:s24], $0x1  }
0x1b: {  	[sflag:s24] =	ssyncset.done $0x0  }
0x1c: {  	s26 =	simm.s32 $0x1B8E;
	s25 =	sld [smem:$0x3FFE];
	[sflag:s24] =	ssyncadd.s32 $0xFFFFFFFF  }
0x1d: {  	s27 =	simm.s32 $execute0_lowered;
	[smem:$0x3FD2] =	sst s26  }
0x1e: {  	s5 =	sshll.u32 s27, $0x1;
	_ =	strace $0x80000049;
	[dreg:$0x1] =	wrdreg $0xFFFFFFFF  }
0x1f: {  	s28 =	simm.s32 $_size_execute0_lowered;
	s3 =	sadd.s32 s3, s5;
	[dreg:$0x0] =	wrdreg $0x0  }
0x20: {  	s5 =	sshll.u32 s28, $0x1;
	[dreg:$0x2] =	wrdreg s3  }
0x21: {  	[dreg:$0x3] =	wrdreg s5  }
0x22: {  	[dreg:$0x4] =	wrdreg $0xC0  }
0x23: {  	_ =	task [dreg:s7], $0x5FFFF  }
0x24: {  	[dreg:$0x1] =	wrdreg $0xFFFFFFFF  }
0x25: {  	[dreg:$0x0] =	wrdreg $0x60  }
0x26: {  	[dreg:$0x2] =	wrdreg s25  }
0x27: {  	[dreg:$0x3] =	wrdreg s2  }
0x28: {  	[dreg:$0x4] =	wrdreg $0x9  }
0x29: {  	_ =	task.clear_ibuf [dreg:s7], $0x5FFFF;
	_ =	strace $0x90000049  }
0x2a: {  	s29 =	simm.s32 $0x9;
	_ =	strace $0x8000004B  }
0x2b: {  	_ =	swait.ge [sflag:s29], $0x1  }
0x2c: {  	[sflag:s29] =	ssyncadd.s32 $0xFFFFFFFF  }
0x2d: {  	_ =	strace $0x9000004B  }
0x2e: {  	_ =	sfence  }
0x2f: {  	s30 =	sld [smem:$0x0];
	_ =	sdelay $0x2  }
0x30: {  	s31 =	sshll.u32 s1, $0xD;
	s1 =	sshrl.u32 s1, $0x2  }
0x31: {  	s3 =	sand.u32 $0x4000, s31;
	s1 =	sadd.s32 s1, s30  }
0x32: {  	s0 =	sor.u32 s3, s0;
	s1 =	sshll.u32 s1, $0x11  }
0x33: {  	s0 =	sor.u32 s1, s0  }
0x34: {  	s0 =	sadd.s32 $0x8F2B, s0  }
0x35: {  	[sflag:s0] =	ssyncadd.remote.s32 $0x1  }
0x36: {  	_ =	sfence.sel $0xFFFF  }
0x37: {  	[dreg:$0x0] =	wrdreg $0xFFFFFFFF;
	(pc) =	sbr.abs _section_cstart, $3  }
0x38: {  	[dreg:$0x1] =	wrdreg $0xFFFFFFFF  }
0x39: {  	_ =	task.clear_ibuf [dreg:s7], $0x2FFFF;
	_ =	strace $0x9FFFFFFF  }
0x3a: {  	(tm) =	ssettm $0x7FFFFFFF  }
0x3b: {  	_ =	shalt  }
tec
execute0_lowered:
.L_overlay_start_1:
0x0: {  	(tag) =	ssettag $0x1  }
0x1: {  	s0 =	srdreg.scid  }
0x2: {  	s1 =	sshll.u32 s0, $0x4  }
0x3: {  	s0 =	stileid.u32;
	s1 =	sand.u32 $0x10, s1  }
0x4: {  	s1 =	sor.u32 s0, s1  }
0x5: {  	s6 =	rddreg [dreg:$0x0];
	s4 =	simm.s32 $0x1;
	s2 =	sshll.u32 s1, $0x7  }
0x6: {  	s7 =	simm.s32 $0x2;
	s12 =	simm.s32 $0x0;
	s1 =	ssub.s32 $0x4000, s2  }
0x7: {  	s8 =	simm.s32 $0x20000;
	s13 =	simm.s32 $0x0;
	s3 =	sand.u32 $0xF80, s1  }
0x8: {  	s9 =	simm.s32 $0x0;
	s5 =	sshrl.u32 s1, $0xC;
	p0 =	sne.s32 s3, $0x0  }
.Ltmp0:
0x9: {  	s1 =	rddreg [dreg:$0x2];
	s4 =	simm.s32 @!p0 $0x0;
	(pc) =	sbr.rel .LBB1_1-.Ltmp0, $4  }
0xa: {  	s11 =	simm.s32 $0x0;
	s3 =	rddreg [dreg:$0x1];
	s5 =	sadd.s32 s4, s5  }
0xb: {  	_ =	strace $0x8000004A;
	s4 =	simm.s32 $0x1;
	s5 =	smul.u32 $0x32, s5  }
0xc: {  	s6 =	sadd.s32 $0xA00, s6;
	s10 =	smov.u32 s2;
	[sflag:s4] =	ssyncpa.u1 $0x0  }
0xd: {  	p0 =	por $0x0, $0x0;
	[sflag:s7] =	ssyncpa.u1 $0x0;
	s7 =	sor.u32 $0x1, s5  }
.LBB1_4:
0xe: {  	s16 =	sshll.u32 s13, $0x3;
	s17 =	sand.u32 $0x78, s13  }
0xf: {  	s30 =	sand.u32 $0xF800, s13;
	s12 =	sshll.u32 s12, $0x10;
	s16 =	sand.u32 $0x3C00, s16  }
0x10: {  	s31 =	sand.u32 $0x7, s13;
	s16 =	sor.u32 s17, s16;
	s17 =	sadd.s32 s3, s30  }
0x11: {  	s13 =	sshll.u32 s31, $0x12;
	s16 =	sshrl.u32 s16, $0x3;
	s12 =	sadd.s32 s12, s17  }
0x12: {  	[tilespmem:s15+$0x0 ss:$0x81] =	vst.msk $0xffff, v0;
	s13 =	sor.u32 $0x400, s13;
	s12 =	sadd.s32 s16, s12  }
0x13: {  	[hbm4b:s12+s13] =	stream.strided.scatter [tilespmem:s14], [sflag:$0x2], $0x1000, s8, s13, $0x20;
	[tilespmem:$0x4040] =	vst v63  }
.LBB1_5:
0x14: {  	s14 =	sadd.s32 $0x1, s9  }
0x15: {  	s12 =	sadd.s32 $0x1000, s10;
	s16 =	smov.u32 s10;
	p2 =	sgt.s32 s14, $0x31  }
0x16: {  	s16 =	smov.u32 @p2 s12  }
0x17: {  	s14 =	simm.s32 @p2 $0x0;
	p2 =	sgt.s32 s16, $0x3FFF  }
0x18: {  	s16 =	smov.u32 @p2 s2;
	p2 =	sne.s32 s11, s7  }
.Ltmp1:
0x19: {  	p1 =	slt.u32 s11, $0x2;
	(pc) =	sbr.rel @!p2 .LBB1_6-.Ltmp1, $4  }
0x1a: {  	s15 =	simm.s32 @!p1 $0x2  }
0x1b: {  	s13 =	smov.u32 s10;
	p0 =	por !p0, !p0;
	_ =	swait.ge @!p1 [sflag:s15], $0x1000  }
0x1c: {  	s12 =	smov.u32 s9;
	[sflag:s15] =	ssyncset.done @!p1 $0x0;
	s9 =	smov.u32 s14  }
0x1d: {  	s11 =	sadd.s32 $0x1, s11;
	[sflag:s15] =	ssyncadd.s32 @!p1 $0xFFFFF000;
	s10 =	smov.u32 s16  }
.LBB1_1:
0x1e: {  	p1 =	sge.u32 s11, s5  }
0x1f: {  	s14 =	sand.u32 @!p1 $0x1FFFFFF, s9  }
0x20: {  	s15 =	smulhi.u32 @!p1 $0x4924925, s14;
	_ =	sdelay $0x1  }
0x21: {  	s15 =	smul.u32 @!p1 $0x38, s15  }
0x22: {  	s16 =	sxor.u32 @!p1 $0xFFFFFFFF, s11;
	s17 =	smul.u32 @!p1 $0x380, s10  }
0x23: {  	s31 =	sadd.s32 $0xFFFFFFFF, s11;
	s16 =	sshll.u32 @!p1 s16, $0xC;
	s14 =	ssub.s32 @!p1 s14, s15  }
0x24: {  	s15 =	sand.u32 @!p1 $0x1000, s16;
	s16 =	sadd.s32 @!p1 s6, s17;
	s14 =	sshll.u32 @!p1 s14, $0x4  }
0x25: {  	s17 =	simm.s32 @!p1 $0x1C00;
	s14 =	sadd.s32 @!p1 s14, s16;
	s16 =	simm.s32 @!p1 $0x20  }
0x26: {  	[tilespmem:s15], [sflag:$0x1] =	stream.strided.gather @!p1 [hbm4b:s14+s16], $0x1000, s17, s16, $0x38;
	[tilespmem:$0x4040] =	vst v63  }
0x27: {  	p1 =	sge.u32 s31, s5  }
.Ltmp2:
0x28: {  	_ = 	snop;
	(pc) =	sbr.rel @p1 .LBB1_5-.Ltmp2, $1  }
0x29: {  	_ =	sdelay $0x3  }
0x2a: {  	s14 =	simm.s32 $0x1  }
0x2b: {  	_ =	swait.ge [sflag:s4], $0x1000;
	s14 =	simm.s32 @!p0 $0x0  }
0x2c: {  	[sflag:s4] =	ssyncset.done $0x0;
	s15 =	sshll.u32 s14, $0xC  }
0x2d: {  	[sflag:s4] =	ssyncadd.s32 $0xFFFFF000;
	s18 =	sor.u32 $0x10, s15  }
0x2e: {  	s14 =	smul.u32 $0x4080, s14;
	v1 =	vld [tilespmem:s18+$0x0]  }
0x2f: {  	s30 =	sand.u32 $0x1, s11;
	v0 =	vld [tilespmem:s18+$0xFFFFFFF0]  }
0x30: {  	s15 =	smul.u32 $0x4080, s30;
	s14 =	sshrl.u32 s14, $0x2  }
0x31: {  	s16 =	sor.u32 $0x2000, s14  }
0x32: {  	s31 =	sshrl.u32 s15, $0x2;
	s15 =	sadd.s32 $0x0, s16  }
0x33: {  	s17 =	simm.s32 $0x4;
	s18 =	sadd.s32 $0x20, s18;
	s14 =	sor.u32 $0x2000, s31;
	[tilespmem:s15+$0x810 ss:$0x81] =	vst.msk $0xffff, v1  }
.LBB1_3:
0x34: {  	v1 =	vld [tilespmem:s18+$0x0];
	p1 =	sne.s32 s17, $0x1FC;
	[tilespmem:s15+$0x0 ss:$0x81] =	vst.msk $0xffff, v0;
	s15 =	smov.u32 s17;
	s17 =	sadd.s32 $0x4, s17  }
.Ltmp3:
0x35: {  	v0 =	vld [tilespmem:s18+$0xFFFFFFF0];
	(pc) =	sbr.rel @p1 .LBB1_3-.Ltmp3, $4  }
0x36: {  	_ = 	snop  }
0x37: {  	s15 =	sshra.s32 s15, $0x2  }
0x38: {  	s15 =	sadd.s32 s15, s16  }
0x39: {  	s18 =	sadd.s32 $0x20, s18;
	[tilespmem:s15+$0x810 ss:$0x81] =	vst.msk $0xffff, v1  }
.Ltmp4:
0x3a: {  	_ = 	snop;
	(pc) =	sbr.rel .LBB1_4-.Ltmp4, $1  }
0x3b: {  	_ =	sdelay $0x3  }
.LBB1_6:
0x3c: {  	_ =	sfence.sel $0x180000  }
0x3d: {  	s2 =	simm.s32 $0x1;
	[bflag:$0x0] =	sbarrier.arrive $0xFFFF  }
0x3e: {  	s31 =	simm.s32 $0x2;
	[sflag:s2] =	ssyncpa.u1 $0x1  }
0x3f: {  	[sflag:s31] =	ssyncpa.u1 $0x1  }
0x40: {  	p0 =	sne.s32 s0, $0x0;
	_ =	strace $0x9000004A  }
0x41: {  	s0 =	sadd.s32 @!p0 $0x100000, s1;
	[bflag:$0x2] =	sbarrier.arrive $0xFFFF  }
0x42: {  	[sflag:s0] =	ssyncadd.tile.s32 @!p0 $0x1;
	_ =	shalt  }
.Lfunc_end1:
_tile_overlayer_lowered:
.L_overlay_start_2:
0x43: {  	(tag) =	ssettag $0x2  }
0x44: {  	s0 =	rddreg [dreg:$0x0];
	s2 =	stileid.u32  }
0x45: {  	s1 =	rddreg [dreg:$0x1];
	p0 =	sne.s32 s2, $0x0  }
0x46: {  	s3 =	rddreg [dreg:$0x2];
	[bflag:$0x3] =	sbarrier.arrive $0xFFFF;
	s2 =	simm.s32 @!p0 $0x1C01  }
0x47: {  	[timem:s3], [sflag:s2] =	dma.local @!p0 [hbm:s0], s1  }
0x48: {  	s0 =	simm.s32 @!p0 $0x1  }
0x49: {  	_ =	swait.ge @!p0 [sflag:s0], s1  }
0x4a: {  	s1 =	ssub.s32 @!p0 $0x0, s1;
	[sflag:s0] =	ssyncset.done @!p0 $0x0  }
0x4b: {  	[sflag:s0] =	ssyncadd.s32 @!p0 s1  }
0x4c: {  	[bflag:$0x3] =	sbarrier.arrive $0xFFFF  }
0x4d: {  	_ =	shalt  }

</sc_bundles>
